<compile_context>
chip_gen: v7x
topology: tpu7x:2x2x1
jax: 0.10.2.dev20260603
libtpu: 0.0.44.dev20260713+nightly
codegen_flags: <defaults>
</compile_context>

<pallas_src>
import functools

import jax
import jax.numpy as jnp
from jax import lax
from jax.experimental import pallas as pl
from jax.experimental.pallas import tpu as pltpu
from jax.experimental.pallas import tpu_sc as plsc

NC = 2
NS = 16
NW = NC * NS
CW = 128
K = 4


@functools.lru_cache(maxsize=None)
def _build(n_total, d):
    per_w = n_total // NW
    ch = per_w // CW
    ng = ch // K
    nh = ng // 2

    mesh = plsc.VectorSubcoreMesh(core_axis_name="c", subcore_axis_name="s")

    @functools.partial(
        pl.kernel,
        out_type=jax.ShapeDtypeStruct((NW, ch, CW, d), jnp.float32),
        mesh=mesh,
        scratch_types=[
            pltpu.VMEM((ch, CW), jnp.int32),
            pltpu.VMEM((2, K, CW, d), jnp.float32),
            pltpu.SemaphoreType.DMA,
            pltpu.SemaphoreType.DMA,
        ],
        compiler_params=pltpu.CompilerParams(
            use_tc_tiling_on_sc=False, skip_device_barrier=True),
    )
    def k(ids_hbm, table_hbm, out_hbm, idx_v, bufs, gsem, wsem):
        wid = lax.axis_index("s") * NC + lax.axis_index("c")
        pltpu.sync_copy(ids_hbm.at[wid], idx_v)

        def fire_gathers(g, s):
            for i in range(K):
                pltpu.async_copy(
                    table_hbm.at[idx_v.at[g * K + i]], bufs.at[s, i], gsem)

        def fire_writes(g, s):
            for i in range(K):
                pltpu.async_copy(bufs.at[s, i], out_hbm.at[wid, g * K + i], wsem)

        def drain(sem, count):
            for _ in range(count):
                pltpu.make_async_copy(out_hbm.at[wid, 0], bufs.at[0, 0], sem).wait()

        fire_gathers(0, 0)

        def body(h, carry):
            g0 = 2 * h
            g1 = g0 + 1

            @pl.when(h > 0)
            def _():
                drain(wsem, K)

            fire_gathers(g1, 1)
            drain(gsem, K)
            fire_writes(g0, 0)
            drain(gsem, K)
            fire_writes(g1, 1)
            drain(wsem, K)

            @pl.when(h + 1 < nh)
            def _():
                fire_gathers(g0 + 2, 0)

            return carry

        lax.fori_loop(0, nh, body, 0)
        drain(wsem, K)

    return k


def kernel(input_ids, table):
    b, s = input_ids.shape
    v, d = table.shape
    n = b * s
    ids = input_ids.astype(jnp.int32).reshape(NW, n // NW // CW, CW)
    out = _build(n, d)(ids, table)
    return out.reshape(b, s, d)

# --- scband reference (transcript-rebuilt; emitter-appended) ---
"""Pipeline reference for scband-regression-transformer-embedding-87093346828872 (READ-ONLY COPY).

The authoritative reference and input builder live on the scoring server;
editing this copy changes nothing except your own understanding.
"""

import jax, jax.numpy as jnp
import numpy as np

VOCAB = 1000000
NUM_HIDDEN = 64
BATCH = 4096
SEQ_LEN = 200


def setup_inputs(seed: int = 0) -> dict:
    key = jax.random.key(seed)
    k_idx, k_tab = jax.random.split(key)
    input_ids = jax.random.randint(k_idx, (BATCH, SEQ_LEN), 0, VOCAB, dtype=jnp.int64 if jax.config.jax_enable_x64 else jnp.int32)
    # Learned parameter: embedding table sized per init_kwargs (vocab_size x num_hidden)
    table = jax.random.normal(k_tab, (VOCAB, NUM_HIDDEN), dtype=jnp.float32) * 0.02
    return {"input_ids": input_ids, "table": table}


def reference(input_ids, table):
    # Faithful translation of RegressionTransformerEmbedding.forward:
    # the torch forward does a pure word-embedding lookup on the token ids
    # (positional_encoding parameter is declared but not applied in forward).
    # Tokenization / number-parsing is string preprocessing that produces
    # input_ids; here input_ids are supplied directly.
    embedded_text = jnp.take(table, input_ids, axis=0)
    return embedded_text

if __name__ == "__main__":
    import jax
    _d = setup_inputs()
    print(jax.jit(kernel)(*tuple(_d.values())))

</pallas_src>

<mosaic_0001>
#map = affine_map<(d0, d1) -> (0, 0, 0)>
#map1 = affine_map<(d0, d1) -> (0, 0)>
#map2 = affine_map<(d0, d1) -> (0, 0, 0, 0)>
module attributes {stable_mosaic.version = 14 : i64} {
  func.func @k(%arg0: i32, %arg1: i32, %arg2: memref<32x200x128xi32, #tpu.memory_space<hbm>>, %arg3: memref<1000000x64xf32, #tpu.memory_space<hbm>>, %arg4: memref<32x200x128x64xf32, #tpu.memory_space<hbm>>, %arg5: memref<200x128xi32, #tpu.memory_space<vmem>>, %arg6: memref<2x4x128x64xf32, #tpu.memory_space<vmem>>, %arg7: memref<!tpu.dma_semaphore, #tpu.memory_space<semaphore_mem>>, %arg8: memref<!tpu.dma_semaphore, #tpu.memory_space<semaphore_mem>>) attributes {dimension_semantics = [#tpu.dimension_semantics<core_parallel>, #tpu.dimension_semantics<subcore_parallel>], iteration_bounds = array<i64: 2, 16>, scalar_prefetch = 0 : i64, scratch_operands = 4 : i64, tpu.core_type = #tpu.core_type<sc_vector_subcore>, window_params = [{transform_indices = #map}, {transform_indices = #map1}, {transform_indices = #map2}]} {
    %mul3A = arith.constant 2 : i32
    %mul3A_0 = arith.muli %arg1, %mul3A : i32
    %add3A = arith.addi %mul3A_0, %arg0 : i32
    "tpu.region"() ({
      %run_scoped3A = tpu.sem_alloc : memref<!tpu.dma_semaphore, #tpu.memory_space<semaphore_mem>>
      %dma_start3A_132 = arith.constant 0 : i32
      %dma_start3A_133 = arith.constant 0 : i32
      %dma_start3A_134 = tpu.memref_slice %arg2[%add3A, %dma_start3A_132, %dma_start3A_133] : memref<32x200x128xi32, #tpu.memory_space<hbm>> -> memref<1x200x128xi32, #tpu.memory_space<hbm>>
      %dma_start3A_135 = tpu.memref_squeeze %dma_start3A_134 : memref<1x200x128xi32, #tpu.memory_space<hbm>> -> memref<200x128xi32, #tpu.memory_space<hbm>>
      %dma_start3A_136 = arith.constant 0 : i32
      %dma_start3A_137 = arith.constant 0 : i32
      %dma_start3A_138 = tpu.memref_slice %arg2[%add3A, %dma_start3A_136, %dma_start3A_137] : memref<32x200x128xi32, #tpu.memory_space<hbm>> -> memref<1x200x128xi32, #tpu.memory_space<hbm>>
      %dma_start3A_139 = tpu.memref_squeeze %dma_start3A_138 : memref<1x200x128xi32, #tpu.memory_space<hbm>> -> memref<200x128xi32, #tpu.memory_space<hbm>>
      tpu.enqueue_dma source(%dma_start3A_139 : memref<200x128xi32, #tpu.memory_space<hbm>>) target(%arg5 : memref<200x128xi32, #tpu.memory_space<vmem>>) target_semaphore(%run_scoped3A : memref<!tpu.dma_semaphore, #tpu.memory_space<semaphore_mem>>)
      %dma_wait3A_140 = arith.constant 0 : i32
      %dma_wait3A_141 = arith.constant 0 : i32
      %dma_wait3A_142 = tpu.memref_slice %arg2[%add3A, %dma_wait3A_140, %dma_wait3A_141] : memref<32x200x128xi32, #tpu.memory_space<hbm>> -> memref<1x200x128xi32, #tpu.memory_space<hbm>>
      %dma_wait3A_143 = tpu.memref_squeeze %dma_wait3A_142 : memref<1x200x128xi32, #tpu.memory_space<hbm>> -> memref<200x128xi32, #tpu.memory_space<hbm>>
      %dma_wait3A_144 = arith.constant 0 : i32
      %dma_wait3A_145 = arith.constant 0 : i32
      %dma_wait3A_146 = tpu.memref_slice %arg2[%add3A, %dma_wait3A_144, %dma_wait3A_145] : memref<32x200x128xi32, #tpu.memory_space<hbm>> -> memref<1x200x128xi32, #tpu.memory_space<hbm>>
      %dma_wait3A_147 = tpu.memref_squeeze %dma_wait3A_146 : memref<1x200x128xi32, #tpu.memory_space<hbm>> -> memref<200x128xi32, #tpu.memory_space<hbm>>
      tpu.wait_dma2 semaphore(%run_scoped3A : memref<!tpu.dma_semaphore, #tpu.memory_space<semaphore_mem>>) src(%dma_wait3A_147 : memref<200x128xi32, #tpu.memory_space<hbm>>) dst(%arg5 : memref<200x128xi32, #tpu.memory_space<vmem>>)
      tpu.yield
    }) : () -> ()
    %dma_start3A = arith.constant 0 : i32
    %dma_start3A_1 = arith.constant 0 : i32
    %dma_start3A_2 = arith.constant 0 : i32
    %dma_start3A_3 = arith.constant 0 : i32
    %dma_start3A_4 = arith.constant 0 : i32
    %dma_start3A_5 = tpu.memref_slice %arg6[%dma_start3A_1, %dma_start3A_2, %dma_start3A_3, %dma_start3A_4] : memref<2x4x128x64xf32, #tpu.memory_space<vmem>> -> memref<1x1x128x64xf32, #tpu.memory_space<vmem>>
    %dma_start3A_6 = tpu.memref_squeeze %dma_start3A_5 : memref<1x1x128x64xf32, #tpu.memory_space<vmem>> -> memref<128x64xf32, #tpu.memory_space<vmem>>
    %dma_start3A_7 = arith.constant 0 : i32
    %dma_start3A_8 = tpu.memref_slice %arg5[%dma_start3A, %dma_start3A_7] : memref<200x128xi32, #tpu.memory_space<vmem>> -> memref<1x128xi32, #tpu.memory_space<vmem>>
    %dma_start3A_9 = tpu.memref_squeeze %dma_start3A_8 : memref<1x128xi32, #tpu.memory_space<vmem>> -> memref<128xi32, #tpu.memory_space<vmem>>
    %dma_start3A_10 = arith.constant 0 : i32
    %dma_start3A_11 = arith.constant 0 : i32
    %dma_start3A_12 = tpu.memref_slice %arg3[%dma_start3A_10, %dma_start3A_11] : memref<1000000x64xf32, #tpu.memory_space<hbm>> -> memref<1000000x64xf32, #tpu.memory_space<hbm>>
    tpu.enqueue_indirect_dma source(%dma_start3A_12 : memref<1000000x64xf32, #tpu.memory_space<hbm>>) target(%dma_start3A_6 : memref<128x64xf32, #tpu.memory_space<vmem>>) offsets(%dma_start3A_9 : memref<128xi32, #tpu.memory_space<vmem>>) semaphore(%arg7 : memref<!tpu.dma_semaphore, #tpu.memory_space<semaphore_mem>>)
    %dma_start3A_13 = arith.constant 1 : i32
    %dma_start3A_14 = arith.constant 0 : i32
    %dma_start3A_15 = arith.constant 1 : i32
    %dma_start3A_16 = arith.constant 0 : i32
    %dma_start3A_17 = arith.constant 0 : i32
    %dma_start3A_18 = tpu.memref_slice %arg6[%dma_start3A_14, %dma_start3A_15, %dma_start3A_16, %dma_start3A_17] : memref<2x4x128x64xf32, #tpu.memory_space<vmem>> -> memref<1x1x128x64xf32, #tpu.memory_space<vmem>>
    %dma_start3A_19 = tpu.memref_squeeze %dma_start3A_18 : memref<1x1x128x64xf32, #tpu.memory_space<vmem>> -> memref<128x64xf32, #tpu.memory_space<vmem>>
    %dma_start3A_20 = arith.constant 0 : i32
    %dma_start3A_21 = tpu.memref_slice %arg5[%dma_start3A_13, %dma_start3A_20] : memref<200x128xi32, #tpu.memory_space<vmem>> -> memref<1x128xi32, #tpu.memory_space<vmem>>
    %dma_start3A_22 = tpu.memref_squeeze %dma_start3A_21 : memref<1x128xi32, #tpu.memory_space<vmem>> -> memref<128xi32, #tpu.memory_space<vmem>>
    %dma_start3A_23 = arith.constant 0 : i32
    %dma_start3A_24 = arith.constant 0 : i32
    %dma_start3A_25 = tpu.memref_slice %arg3[%dma_start3A_23, %dma_start3A_24] : memref<1000000x64xf32, #tpu.memory_space<hbm>> -> memref<1000000x64xf32, #tpu.memory_space<hbm>>
    tpu.enqueue_indirect_dma source(%dma_start3A_25 : memref<1000000x64xf32, #tpu.memory_space<hbm>>) target(%dma_start3A_19 : memref<128x64xf32, #tpu.memory_space<vmem>>) offsets(%dma_start3A_22 : memref<128xi32, #tpu.memory_space<vmem>>) semaphore(%arg7 : memref<!tpu.dma_semaphore, #tpu.memory_space<semaphore_mem>>)
    %dma_start3A_26 = arith.constant 2 : i32
    %dma_start3A_27 = arith.constant 0 : i32
    %dma_start3A_28 = arith.constant 2 : i32
    %dma_start3A_29 = arith.constant 0 : i32
    %dma_start3A_30 = arith.constant 0 : i32
    %dma_start3A_31 = tpu.memref_slice %arg6[%dma_start3A_27, %dma_start3A_28, %dma_start3A_29, %dma_start3A_30] : memref<2x4x128x64xf32, #tpu.memory_space<vmem>> -> memref<1x1x128x64xf32, #tpu.memory_space<vmem>>
    %dma_start3A_32 = tpu.memref_squeeze %dma_start3A_31 : memref<1x1x128x64xf32, #tpu.memory_space<vmem>> -> memref<128x64xf32, #tpu.memory_space<vmem>>
    %dma_start3A_33 = arith.constant 0 : i32
    %dma_start3A_34 = tpu.memref_slice %arg5[%dma_start3A_26, %dma_start3A_33] : memref<200x128xi32, #tpu.memory_space<vmem>> -> memref<1x128xi32, #tpu.memory_space<vmem>>
    %dma_start3A_35 = tpu.memref_squeeze %dma_start3A_34 : memref<1x128xi32, #tpu.memory_space<vmem>> -> memref<128xi32, #tpu.memory_space<vmem>>
    %dma_start3A_36 = arith.constant 0 : i32
    %dma_start3A_37 = arith.constant 0 : i32
    %dma_start3A_38 = tpu.memref_slice %arg3[%dma_start3A_36, %dma_start3A_37] : memref<1000000x64xf32, #tpu.memory_space<hbm>> -> memref<1000000x64xf32, #tpu.memory_space<hbm>>
    tpu.enqueue_indirect_dma source(%dma_start3A_38 : memref<1000000x64xf32, #tpu.memory_space<hbm>>) target(%dma_start3A_32 : memref<128x64xf32, #tpu.memory_space<vmem>>) offsets(%dma_start3A_35 : memref<128xi32, #tpu.memory_space<vmem>>) semaphore(%arg7 : memref<!tpu.dma_semaphore, #tpu.memory_space<semaphore_mem>>)
    %dma_start3A_39 = arith.constant 3 : i32
    %dma_start3A_40 = arith.constant 0 : i32
    %dma_start3A_41 = arith.constant 3 : i32
    %dma_start3A_42 = arith.constant 0 : i32
    %dma_start3A_43 = arith.constant 0 : i32
    %dma_start3A_44 = tpu.memref_slice %arg6[%dma_start3A_40, %dma_start3A_41, %dma_start3A_42, %dma_start3A_43] : memref<2x4x128x64xf32, #tpu.memory_space<vmem>> -> memref<1x1x128x64xf32, #tpu.memory_space<vmem>>
    %dma_start3A_45 = tpu.memref_squeeze %dma_start3A_44 : memref<1x1x128x64xf32, #tpu.memory_space<vmem>> -> memref<128x64xf32, #tpu.memory_space<vmem>>
    %dma_start3A_46 = arith.constant 0 : i32
    %dma_start3A_47 = tpu.memref_slice %arg5[%dma_start3A_39, %dma_start3A_46] : memref<200x128xi32, #tpu.memory_space<vmem>> -> memref<1x128xi32, #tpu.memory_space<vmem>>
    %dma_start3A_48 = tpu.memref_squeeze %dma_start3A_47 : memref<1x128xi32, #tpu.memory_space<vmem>> -> memref<128xi32, #tpu.memory_space<vmem>>
    %dma_start3A_49 = arith.constant 0 : i32
    %dma_start3A_50 = arith.constant 0 : i32
    %dma_start3A_51 = tpu.memref_slice %arg3[%dma_start3A_49, %dma_start3A_50] : memref<1000000x64xf32, #tpu.memory_space<hbm>> -> memref<1000000x64xf32, #tpu.memory_space<hbm>>
    tpu.enqueue_indirect_dma source(%dma_start3A_51 : memref<1000000x64xf32, #tpu.memory_space<hbm>>) target(%dma_start3A_45 : memref<128x64xf32, #tpu.memory_space<vmem>>) offsets(%dma_start3A_48 : memref<128xi32, #tpu.memory_space<vmem>>) semaphore(%arg7 : memref<!tpu.dma_semaphore, #tpu.memory_space<semaphore_mem>>)
    %scan3A = arith.constant 0 : i32
    %scan3A_52 = arith.constant 0 : i32
    %scan3A_53 = arith.constant 25 : i32
    %scan3A_54 = arith.addi %scan3A_52, %scan3A_53 : i32
    %scan3A_55 = arith.constant 1 : i32
    scf.for %scan3A_132 = %scan3A_52 to %scan3A_54 step %scan3A_55  : i32 {
      %mul3A_133 = arith.constant 2 : i32
      %mul3A_134 = arith.muli %mul3A_133, %scan3A_132 : i32
      %add3A_135 = arith.constant 1 : i32
      %add3A_136 = arith.addi %mul3A_134, %add3A_135 : i32
      %gt3A = arith.constant 0 : i32
      %gt3A_137 = arith.cmpi sgt, %scan3A_132, %gt3A : i32
      %convert_element_type3A = arith.extui %gt3A_137 : i1 to i32
      %cond3A = arith.constant 0 : i32
      %cond3A_138 = arith.cmpi ne, %convert_element_type3A, %cond3A : i32
      scf.if %cond3A_138 {
        %dma_wait3A_613 = arith.constant 0 : i32
        %dma_wait3A_614 = arith.constant 0 : i32
        %dma_wait3A_615 = arith.constant 0 : i32
        %dma_wait3A_616 = arith.constant 0 : i32
        %dma_wait3A_617 = arith.constant 0 : i32
        %dma_wait3A_618 = tpu.memref_slice %arg6[%dma_wait3A_614, %dma_wait3A_615, %dma_wait3A_616, %dma_wait3A_617] : memref<2x4x128x64xf32, #tpu.memory_space<vmem>> -> memref<1x1x128x64xf32, #tpu.memory_space<vmem>>
        %dma_wait3A_619 = tpu.memref_squeeze %dma_wait3A_618 : memref<1x1x128x64xf32, #tpu.memory_space<vmem>> -> memref<128x64xf32, #tpu.memory_space<vmem>>
        %dma_wait3A_620 = arith.constant 0 : i32
        %dma_wait3A_621 = arith.constant 0 : i32
        %dma_wait3A_622 = tpu.memref_slice %arg4[%add3A, %dma_wait3A_613, %dma_wait3A_620, %dma_wait3A_621] : memref<32x200x128x64xf32, #tpu.memory_space<hbm>> -> memref<1x1x128x64xf32, #tpu.memory_space<hbm>>
        %dma_wait3A_623 = tpu.memref_squeeze %dma_wait3A_622 : memref<1x1x128x64xf32, #tpu.memory_space<hbm>> -> memref<128x64xf32, #tpu.memory_space<hbm>>
        %dma_wait3A_624 = arith.constant 0 : i32
        %dma_wait3A_625 = arith.constant 0 : i32
        %dma_wait3A_626 = tpu.memref_slice %arg6[%dma_wait3A_614, %dma_wait3A_615, %dma_wait3A_624, %dma_wait3A_625] : memref<2x4x128x64xf32, #tpu.memory_space<vmem>> -> memref<1x1x128x64xf32, #tpu.memory_space<vmem>>
        %dma_wait3A_627 = tpu.memref_squeeze %dma_wait3A_626 : memref<1x1x128x64xf32, #tpu.memory_space<vmem>> -> memref<128x64xf32, #tpu.memory_space<vmem>>
        %dma_wait3A_628 = arith.constant 0 : i32
        %dma_wait3A_629 = arith.constant 0 : i32
        %dma_wait3A_630 = tpu.memref_slice %arg4[%add3A, %dma_wait3A_613, %dma_wait3A_628, %dma_wait3A_629] : memref<32x200x128x64xf32, #tpu.memory_space<hbm>> -> memref<1x1x128x64xf32, #tpu.memory_space<hbm>>
        %dma_wait3A_631 = tpu.memref_squeeze %dma_wait3A_630 : memref<1x1x128x64xf32, #tpu.memory_space<hbm>> -> memref<128x64xf32, #tpu.memory_space<hbm>>
        tpu.wait_dma2 semaphore(%arg8 : memref<!tpu.dma_semaphore, #tpu.memory_space<semaphore_mem>>) src(%dma_wait3A_631 : memref<128x64xf32, #tpu.memory_space<hbm>>) dst(%dma_wait3A_627 : memref<128x64xf32, #tpu.memory_space<vmem>>)
        %dma_wait3A_632 = arith.constant 0 : i32
        %dma_wait3A_633 = arith.constant 0 : i32
        %dma_wait3A_634 = arith.constant 0 : i32
        %dma_wait3A_635 = arith.constant 0 : i32
        %dma_wait3A_636 = arith.constant 0 : i32
        %dma_wait3A_637 = tpu.memref_slice %arg6[%dma_wait3A_633, %dma_wait3A_634, %dma_wait3A_635, %dma_wait3A_636] : memref<2x4x128x64xf32, #tpu.memory_space<vmem>> -> memref<1x1x128x64xf32, #tpu.memory_space<vmem>>
        %dma_wait3A_638 = tpu.memref_squeeze %dma_wait3A_637 : memref<1x1x128x64xf32, #tpu.memory_space<vmem>> -> memref<128x64xf32, #tpu.memory_space<vmem>>
        %dma_wait3A_639 = arith.constant 0 : i32
        %dma_wait3A_640 = arith.constant 0 : i32
        %dma_wait3A_641 = tpu.memref_slice %arg4[%add3A, %dma_wait3A_632, %dma_wait3A_639, %dma_wait3A_640] : memref<32x200x128x64xf32, #tpu.memory_space<hbm>> -> memref<1x1x128x64xf32, #tpu.memory_space<hbm>>
        %dma_wait3A_642 = tpu.memref_squeeze %dma_wait3A_641 : memref<1x1x128x64xf32, #tpu.memory_space<hbm>> -> memref<128x64xf32, #tpu.memory_space<hbm>>
        %dma_wait3A_643 = arith.constant 0 : i32
        %dma_wait3A_644 = arith.constant 0 : i32
        %dma_wait3A_645 = tpu.memref_slice %arg6[%dma_wait3A_633, %dma_wait3A_634, %dma_wait3A_643, %dma_wait3A_644] : memref<2x4x128x64xf32, #tpu.memory_space<vmem>> -> memref<1x1x128x64xf32, #tpu.memory_space<vmem>>
        %dma_wait3A_646 = tpu.memref_squeeze %dma_wait3A_645 : memref<1x1x128x64xf32, #tpu.memory_space<vmem>> -> memref<128x64xf32, #tpu.memory_space<vmem>>
        %dma_wait3A_647 = arith.constant 0 : i32
        %dma_wait3A_648 = arith.constant 0 : i32
        %dma_wait3A_649 = tpu.memref_slice %arg4[%add3A, %dma_wait3A_632, %dma_wait3A_647, %dma_wait3A_648] : memref<32x200x128x64xf32, #tpu.memory_space<hbm>> -> memref<1x1x128x64xf32, #tpu.memory_space<hbm>>
        %dma_wait3A_650 = tpu.memref_squeeze %dma_wait3A_649 : memref<1x1x128x64xf32, #tpu.memory_space<hbm>> -> memref<128x64xf32, #tpu.memory_space<hbm>>
        tpu.wait_dma2 semaphore(%arg8 : memref<!tpu.dma_semaphore, #tpu.memory_space<semaphore_mem>>) src(%dma_wait3A_650 : memref<128x64xf32, #tpu.memory_space<hbm>>) dst(%dma_wait3A_646 : memref<128x64xf32, #tpu.memory_space<vmem>>)
        %dma_wait3A_651 = arith.constant 0 : i32
        %dma_wait3A_652 = arith.constant 0 : i32
        %dma_wait3A_653 = arith.constant 0 : i32
        %dma_wait3A_654 = arith.constant 0 : i32
        %dma_wait3A_655 = arith.constant 0 : i32
        %dma_wait3A_656 = tpu.memref_slice %arg6[%dma_wait3A_652, %dma_wait3A_653, %dma_wait3A_654, %dma_wait3A_655] : memref<2x4x128x64xf32, #tpu.memory_space<vmem>> -> memref<1x1x128x64xf32, #tpu.memory_space<vmem>>
        %dma_wait3A_657 = tpu.memref_squeeze %dma_wait3A_656 : memref<1x1x128x64xf32, #tpu.memory_space<vmem>> -> memref<128x64xf32, #tpu.memory_space<vmem>>
        %dma_wait3A_658 = arith.constant 0 : i32
        %dma_wait3A_659 = arith.constant 0 : i32
        %dma_wait3A_660 = tpu.memref_slice %arg4[%add3A, %dma_wait3A_651, %dma_wait3A_658, %dma_wait3A_659] : memref<32x200x128x64xf32, #tpu.memory_space<hbm>> -> memref<1x1x128x64xf32, #tpu.memory_space<hbm>>
        %dma_wait3A_661 = tpu.memref_squeeze %dma_wait3A_660 : memref<1x1x128x64xf32, #tpu.memory_space<hbm>> -> memref<128x64xf32, #tpu.memory_space<hbm>>
        %dma_wait3A_662 = arith.constant 0 : i32
        %dma_wait3A_663 = arith.constant 0 : i32
        %dma_wait3A_664 = tpu.memref_slice %arg6[%dma_wait3A_652, %dma_wait3A_653, %dma_wait3A_662, %dma_wait3A_663] : memref<2x4x128x64xf32, #tpu.memory_space<vmem>> -> memref<1x1x128x64xf32, #tpu.memory_space<vmem>>
        %dma_wait3A_665 = tpu.memref_squeeze %dma_wait3A_664 : memref<1x1x128x64xf32, #tpu.memory_space<vmem>> -> memref<128x64xf32, #tpu.memory_space<vmem>>
        %dma_wait3A_666 = arith.constant 0 : i32
        %dma_wait3A_667 = arith.constant 0 : i32
        %dma_wait3A_668 = tpu.memref_slice %arg4[%add3A, %dma_wait3A_651, %dma_wait3A_666, %dma_wait3A_667] : memref<32x200x128x64xf32, #tpu.memory_space<hbm>> -> memref<1x1x128x64xf32, #tpu.memory_space<hbm>>
        %dma_wait3A_669 = tpu.memref_squeeze %dma_wait3A_668 : memref<1x1x128x64xf32, #tpu.memory_space<hbm>> -> memref<128x64xf32, #tpu.memory_space<hbm>>
        tpu.wait_dma2 semaphore(%arg8 : memref<!tpu.dma_semaphore, #tpu.memory_space<semaphore_mem>>) src(%dma_wait3A_669 : memref<128x64xf32, #tpu.memory_space<hbm>>) dst(%dma_wait3A_665 : memref<128x64xf32, #tpu.memory_space<vmem>>)
        %dma_wait3A_670 = arith.constant 0 : i32
        %dma_wait3A_671 = arith.constant 0 : i32
        %dma_wait3A_672 = arith.constant 0 : i32
        %dma_wait3A_673 = arith.constant 0 : i32
        %dma_wait3A_674 = arith.constant 0 : i32
        %dma_wait3A_675 = tpu.memref_slice %arg6[%dma_wait3A_671, %dma_wait3A_672, %dma_wait3A_673, %dma_wait3A_674] : memref<2x4x128x64xf32, #tpu.memory_space<vmem>> -> memref<1x1x128x64xf32, #tpu.memory_space<vmem>>
        %dma_wait3A_676 = tpu.memref_squeeze %dma_wait3A_675 : memref<1x1x128x64xf32, #tpu.memory_space<vmem>> -> memref<128x64xf32, #tpu.memory_space<vmem>>
        %dma_wait3A_677 = arith.constant 0 : i32
        %dma_wait3A_678 = arith.constant 0 : i32
        %dma_wait3A_679 = tpu.memref_slice %arg4[%add3A, %dma_wait3A_670, %dma_wait3A_677, %dma_wait3A_678] : memref<32x200x128x64xf32, #tpu.memory_space<hbm>> -> memref<1x1x128x64xf32, #tpu.memory_space<hbm>>
        %dma_wait3A_680 = tpu.memref_squeeze %dma_wait3A_679 : memref<1x1x128x64xf32, #tpu.memory_space<hbm>> -> memref<128x64xf32, #tpu.memory_space<hbm>>
        %dma_wait3A_681 = arith.constant 0 : i32
        %dma_wait3A_682 = arith.constant 0 : i32
        %dma_wait3A_683 = tpu.memref_slice %arg6[%dma_wait3A_671, %dma_wait3A_672, %dma_wait3A_681, %dma_wait3A_682] : memref<2x4x128x64xf32, #tpu.memory_space<vmem>> -> memref<1x1x128x64xf32, #tpu.memory_space<vmem>>
        %dma_wait3A_684 = tpu.memref_squeeze %dma_wait3A_683 : memref<1x1x128x64xf32, #tpu.memory_space<vmem>> -> memref<128x64xf32, #tpu.memory_space<vmem>>
        %dma_wait3A_685 = arith.constant 0 : i32
        %dma_wait3A_686 = arith.constant 0 : i32
        %dma_wait3A_687 = tpu.memref_slice %arg4[%add3A, %dma_wait3A_670, %dma_wait3A_685, %dma_wait3A_686] : memref<32x200x128x64xf32, #tpu.memory_space<hbm>> -> memref<1x1x128x64xf32, #tpu.memory_space<hbm>>
        %dma_wait3A_688 = tpu.memref_squeeze %dma_wait3A_687 : memref<1x1x128x64xf32, #tpu.memory_space<hbm>> -> memref<128x64xf32, #tpu.memory_space<hbm>>
        tpu.wait_dma2 semaphore(%arg8 : memref<!tpu.dma_semaphore, #tpu.memory_space<semaphore_mem>>) src(%dma_wait3A_688 : memref<128x64xf32, #tpu.memory_space<hbm>>) dst(%dma_wait3A_684 : memref<128x64xf32, #tpu.memory_space<vmem>>)
      } else {
      }
      %mul3A_139 = arith.constant 4 : i32
      %mul3A_140 = arith.muli %add3A_136, %mul3A_139 : i32
      %add3A_141 = arith.constant 0 : i32
      %add3A_142 = arith.addi %mul3A_140, %add3A_141 : i32
      %dma_start3A_143 = arith.constant 1 : i32
      %dma_start3A_144 = arith.constant 0 : i32
      %dma_start3A_145 = arith.constant 0 : i32
      %dma_start3A_146 = arith.constant 0 : i32
      %dma_start3A_147 = tpu.memref_slice %arg6[%dma_start3A_143, %dma_start3A_144, %dma_start3A_145, %dma_start3A_146] : memref<2x4x128x64xf32, #tpu.memory_space<vmem>> -> memref<1x1x128x64xf32, #tpu.memory_space<vmem>>
      %dma_start3A_148 = tpu.memref_squeeze %dma_start3A_147 : memref<1x1x128x64xf32, #tpu.memory_space<vmem>> -> memref<128x64xf32, #tpu.memory_space<vmem>>
      %dma_start3A_149 = arith.constant 0 : i32
      %dma_start3A_150 = tpu.memref_slice %arg5[%add3A_142, %dma_start3A_149] : memref<200x128xi32, #tpu.memory_space<vmem>> -> memref<1x128xi32, #tpu.memory_space<vmem>>
      %dma_start3A_151 = tpu.memref_squeeze %dma_start3A_150 : memref<1x128xi32, #tpu.memory_space<vmem>> -> memref<128xi32, #tpu.memory_space<vmem>>
      %dma_start3A_152 = arith.constant 0 : i32
      %dma_start3A_153 = arith.constant 0 : i32
      %dma_start3A_154 = tpu.memref_slice %arg3[%dma_start3A_152, %dma_start3A_153] : memref<1000000x64xf32, #tpu.memory_space<hbm>> -> memref<1000000x64xf32, #tpu.memory_space<hbm>>
      tpu.enqueue_indirect_dma source(%dma_start3A_154 : memref<1000000x64xf32, #tpu.memory_space<hbm>>) target(%dma_start3A_148 : memref<128x64xf32, #tpu.memory_space<vmem>>) offsets(%dma_start3A_151 : memref<128xi32, #tpu.memory_space<vmem>>) semaphore(%arg7 : memref<!tpu.dma_semaphore, #tpu.memory_space<semaphore_mem>>)
      %mul3A_155 = arith.constant 4 : i32
      %mul3A_156 = arith.muli %add3A_136, %mul3A_155 : i32
      %add3A_157 = arith.constant 1 : i32
      %add3A_158 = arith.addi %mul3A_156, %add3A_157 : i32
      %dma_start3A_159 = arith.constant 1 : i32
      %dma_start3A_160 = arith.constant 1 : i32
      %dma_start3A_161 = arith.constant 0 : i32
      %dma_start3A_162 = arith.constant 0 : i32
      %dma_start3A_163 = tpu.memref_slice %arg6[%dma_start3A_159, %dma_start3A_160, %dma_start3A_161, %dma_start3A_162] : memref<2x4x128x64xf32, #tpu.memory_space<vmem>> -> memref<1x1x128x64xf32, #tpu.memory_space<vmem>>
      %dma_start3A_164 = tpu.memref_squeeze %dma_start3A_163 : memref<1x1x128x64xf32, #tpu.memory_space<vmem>> -> memref<128x64xf32, #tpu.memory_space<vmem>>
      %dma_start3A_165 = arith.constant 0 : i32
      %dma_start3A_166 = tpu.memref_slice %arg5[%add3A_158, %dma_start3A_165] : memref<200x128xi32, #tpu.memory_space<vmem>> -> memref<1x128xi32, #tpu.memory_space<vmem>>
      %dma_start3A_167 = tpu.memref_squeeze %dma_start3A_166 : memref<1x128xi32, #tpu.memory_space<vmem>> -> memref<128xi32, #tpu.memory_space<vmem>>
      %dma_start3A_168 = arith.constant 0 : i32
      %dma_start3A_169 = arith.constant 0 : i32
      %dma_start3A_170 = tpu.memref_slice %arg3[%dma_start3A_168, %dma_start3A_169] : memref<1000000x64xf32, #tpu.memory_space<hbm>> -> memref<1000000x64xf32, #tpu.memory_space<hbm>>
      tpu.enqueue_indirect_dma source(%dma_start3A_170 : memref<1000000x64xf32, #tpu.memory_space<hbm>>) target(%dma_start3A_164 : memref<128x64xf32, #tpu.memory_space<vmem>>) offsets(%dma_start3A_167 : memref<128xi32, #tpu.memory_space<vmem>>) semaphore(%arg7 : memref<!tpu.dma_semaphore, #tpu.memory_space<semaphore_mem>>)
      %mul3A_171 = arith.constant 4 : i32
      %mul3A_172 = arith.muli %add3A_136, %mul3A_171 : i32
      %add3A_173 = arith.constant 2 : i32
      %add3A_174 = arith.addi %mul3A_172, %add3A_173 : i32
      %dma_start3A_175 = arith.constant 1 : i32
      %dma_start3A_176 = arith.constant 2 : i32
      %dma_start3A_177 = arith.constant 0 : i32
      %dma_start3A_178 = arith.constant 0 : i32
      %dma_start3A_179 = tpu.memref_slice %arg6[%dma_start3A_175, %dma_start3A_176, %dma_start3A_177, %dma_start3A_178] : memref<2x4x128x64xf32, #tpu.memory_space<vmem>> -> memref<1x1x128x64xf32, #tpu.memory_space<vmem>>
      %dma_start3A_180 = tpu.memref_squeeze %dma_start3A_179 : memref<1x1x128x64xf32, #tpu.memory_space<vmem>> -> memref<128x64xf32, #tpu.memory_space<vmem>>
      %dma_start3A_181 = arith.constant 0 : i32
      %dma_start3A_182 = tpu.memref_slice %arg5[%add3A_174, %dma_start3A_181] : memref<200x128xi32, #tpu.memory_space<vmem>> -> memref<1x128xi32, #tpu.memory_space<vmem>>
      %dma_start3A_183 = tpu.memref_squeeze %dma_start3A_182 : memref<1x128xi32, #tpu.memory_space<vmem>> -> memref<128xi32, #tpu.memory_space<vmem>>
      %dma_start3A_184 = arith.constant 0 : i32
      %dma_start3A_185 = arith.constant 0 : i32
      %dma_start3A_186 = tpu.memref_slice %arg3[%dma_start3A_184, %dma_start3A_185] : memref<1000000x64xf32, #tpu.memory_space<hbm>> -> memref<1000000x64xf32, #tpu.memory_space<hbm>>
      tpu.enqueue_indirect_dma source(%dma_start3A_186 : memref<1000000x64xf32, #tpu.memory_space<hbm>>) target(%dma_start3A_180 : memref<128x64xf32, #tpu.memory_space<vmem>>) offsets(%dma_start3A_183 : memref<128xi32, #tpu.memory_space<vmem>>) semaphore(%arg7 : memref<!tpu.dma_semaphore, #tpu.memory_space<semaphore_mem>>)
      %mul3A_187 = arith.constant 4 : i32
      %mul3A_188 = arith.muli %add3A_136, %mul3A_187 : i32
      %add3A_189 = arith.constant 3 : i32
      %add3A_190 = arith.addi %mul3A_188, %add3A_189 : i32
      %dma_start3A_191 = arith.constant 1 : i32
      %dma_start3A_192 = arith.constant 3 : i32
      %dma_start3A_193 = arith.constant 0 : i32
      %dma_start3A_194 = arith.constant 0 : i32
      %dma_start3A_195 = tpu.memref_slice %arg6[%dma_start3A_191, %dma_start3A_192, %dma_start3A_193, %dma_start3A_194] : memref<2x4x128x64xf32, #tpu.memory_space<vmem>> -> memref<1x1x128x64xf32, #tpu.memory_space<vmem>>
      %dma_start3A_196 = tpu.memref_squeeze %dma_start3A_195 : memref<1x1x128x64xf32, #tpu.memory_space<vmem>> -> memref<128x64xf32, #tpu.memory_space<vmem>>
      %dma_start3A_197 = arith.constant 0 : i32
      %dma_start3A_198 = tpu.memref_slice %arg5[%add3A_190, %dma_start3A_197] : memref<200x128xi32, #tpu.memory_space<vmem>> -> memref<1x128xi32, #tpu.memory_space<vmem>>
      %dma_start3A_199 = tpu.memref_squeeze %dma_start3A_198 : memref<1x128xi32, #tpu.memory_space<vmem>> -> memref<128xi32, #tpu.memory_space<vmem>>
      %dma_start3A_200 = arith.constant 0 : i32
      %dma_start3A_201 = arith.constant 0 : i32
      %dma_start3A_202 = tpu.memref_slice %arg3[%dma_start3A_200, %dma_start3A_201] : memref<1000000x64xf32, #tpu.memory_space<hbm>> -> memref<1000000x64xf32, #tpu.memory_space<hbm>>
      tpu.enqueue_indirect_dma source(%dma_start3A_202 : memref<1000000x64xf32, #tpu.memory_space<hbm>>) target(%dma_start3A_196 : memref<128x64xf32, #tpu.memory_space<vmem>>) offsets(%dma_start3A_199 : memref<128xi32, #tpu.memory_space<vmem>>) semaphore(%arg7 : memref<!tpu.dma_semaphore, #tpu.memory_space<semaphore_mem>>)
      %dma_wait3A_203 = arith.constant 0 : i32
      %dma_wait3A_204 = arith.constant 0 : i32
      %dma_wait3A_205 = arith.constant 0 : i32
      %dma_wait3A_206 = arith.constant 0 : i32
      %dma_wait3A_207 = arith.constant 0 : i32
      %dma_wait3A_208 = tpu.memref_slice %arg6[%dma_wait3A_204, %dma_wait3A_205, %dma_wait3A_206, %dma_wait3A_207] : memref<2x4x128x64xf32, #tpu.memory_space<vmem>> -> memref<1x1x128x64xf32, #tpu.memory_space<vmem>>
      %dma_wait3A_209 = tpu.memref_squeeze %dma_wait3A_208 : memref<1x1x128x64xf32, #tpu.memory_space<vmem>> -> memref<128x64xf32, #tpu.memory_space<vmem>>
      %dma_wait3A_210 = arith.constant 0 : i32
      %dma_wait3A_211 = arith.constant 0 : i32
      %dma_wait3A_212 = tpu.memref_slice %arg4[%add3A, %dma_wait3A_203, %dma_wait3A_210, %dma_wait3A_211] : memref<32x200x128x64xf32, #tpu.memory_space<hbm>> -> memref<1x1x128x64xf32, #tpu.memory_space<hbm>>
      %dma_wait3A_213 = tpu.memref_squeeze %dma_wait3A_212 : memref<1x1x128x64xf32, #tpu.memory_space<hbm>> -> memref<128x64xf32, #tpu.memory_space<hbm>>
      %dma_wait3A_214 = arith.constant 0 : i32
      %dma_wait3A_215 = arith.constant 0 : i32
      %dma_wait3A_216 = tpu.memref_slice %arg6[%dma_wait3A_204, %dma_wait3A_205, %dma_wait3A_214, %dma_wait3A_215] : memref<2x4x128x64xf32, #tpu.memory_space<vmem>> -> memref<1x1x128x64xf32, #tpu.memory_space<vmem>>
      %dma_wait3A_217 = tpu.memref_squeeze %dma_wait3A_216 : memref<1x1x128x64xf32, #tpu.memory_space<vmem>> -> memref<128x64xf32, #tpu.memory_space<vmem>>
      %dma_wait3A_218 = arith.constant 0 : i32
      %dma_wait3A_219 = arith.constant 0 : i32
      %dma_wait3A_220 = tpu.memref_slice %arg4[%add3A, %dma_wait3A_203, %dma_wait3A_218, %dma_wait3A_219] : memref<32x200x128x64xf32, #tpu.memory_space<hbm>> -> memref<1x1x128x64xf32, #tpu.memory_space<hbm>>
      %dma_wait3A_221 = tpu.memref_squeeze %dma_wait3A_220 : memref<1x1x128x64xf32, #tpu.memory_space<hbm>> -> memref<128x64xf32, #tpu.memory_space<hbm>>
      tpu.wait_dma2 semaphore(%arg7 : memref<!tpu.dma_semaphore, #tpu.memory_space<semaphore_mem>>) src(%dma_wait3A_221 : memref<128x64xf32, #tpu.memory_space<hbm>>) dst(%dma_wait3A_217 : memref<128x64xf32, #tpu.memory_space<vmem>>)
      %dma_wait3A_222 = arith.constant 0 : i32
      %dma_wait3A_223 = arith.constant 0 : i32
      %dma_wait3A_224 = arith.constant 0 : i32
      %dma_wait3A_225 = arith.constant 0 : i32
      %dma_wait3A_226 = arith.constant 0 : i32
      %dma_wait3A_227 = tpu.memref_slice %arg6[%dma_wait3A_223, %dma_wait3A_224, %dma_wait3A_225, %dma_wait3A_226] : memref<2x4x128x64xf32, #tpu.memory_space<vmem>> -> memref<1x1x128x64xf32, #tpu.memory_space<vmem>>
      %dma_wait3A_228 = tpu.memref_squeeze %dma_wait3A_227 : memref<1x1x128x64xf32, #tpu.memory_space<vmem>> -> memref<128x64xf32, #tpu.memory_space<vmem>>
      %dma_wait3A_229 = arith.constant 0 : i32
      %dma_wait3A_230 = arith.constant 0 : i32
      %dma_wait3A_231 = tpu.memref_slice %arg4[%add3A, %dma_wait3A_222, %dma_wait3A_229, %dma_wait3A_230] : memref<32x200x128x64xf32, #tpu.memory_space<hbm>> -> memref<1x1x128x64xf32, #tpu.memory_space<hbm>>
      %dma_wait3A_232 = tpu.memref_squeeze %dma_wait3A_231 : memref<1x1x128x64xf32, #tpu.memory_space<hbm>> -> memref<128x64xf32, #tpu.memory_space<hbm>>
      %dma_wait3A_233 = arith.constant 0 : i32
      %dma_wait3A_234 = arith.constant 0 : i32
      %dma_wait3A_235 = tpu.memref_slice %arg6[%dma_wait3A_223, %dma_wait3A_224, %dma_wait3A_233, %dma_wait3A_234] : memref<2x4x128x64xf32, #tpu.memory_space<vmem>> -> memref<1x1x128x64xf32, #tpu.memory_space<vmem>>
      %dma_wait3A_236 = tpu.memref_squeeze %dma_wait3A_235 : memref<1x1x128x64xf32, #tpu.memory_space<vmem>> -> memref<128x64xf32, #tpu.memory_space<vmem>>
      %dma_wait3A_237 = arith.constant 0 : i32
      %dma_wait3A_238 = arith.constant 0 : i32
      %dma_wait3A_239 = tpu.memref_slice %arg4[%add3A, %dma_wait3A_222, %dma_wait3A_237, %dma_wait3A_238] : memref<32x200x128x64xf32, #tpu.memory_space<hbm>> -> memref<1x1x128x64xf32, #tpu.memory_space<hbm>>
      %dma_wait3A_240 = tpu.memref_squeeze %dma_wait3A_239 : memref<1x1x128x64xf32, #tpu.memory_space<hbm>> -> memref<128x64xf32, #tpu.memory_space<hbm>>
      tpu.wait_dma2 semaphore(%arg7 : memref<!tpu.dma_semaphore, #tpu.memory_space<semaphore_mem>>) src(%dma_wait3A_240 : memref<128x64xf32, #tpu.memory_space<hbm>>) dst(%dma_wait3A_236 : memref<128x64xf32, #tpu.memory_space<vmem>>)
      %dma_wait3A_241 = arith.constant 0 : i32
      %dma_wait3A_242 = arith.constant 0 : i32
      %dma_wait3A_243 = arith.constant 0 : i32
      %dma_wait3A_244 = arith.constant 0 : i32
      %dma_wait3A_245 = arith.constant 0 : i32
      %dma_wait3A_246 = tpu.memref_slice %arg6[%dma_wait3A_242, %dma_wait3A_243, %dma_wait3A_244, %dma_wait3A_245] : memref<2x4x128x64xf32, #tpu.memory_space<vmem>> -> memref<1x1x128x64xf32, #tpu.memory_space<vmem>>
      %dma_wait3A_247 = tpu.memref_squeeze %dma_wait3A_246 : memref<1x1x128x64xf32, #tpu.memory_space<vmem>> -> memref<128x64xf32, #tpu.memory_space<vmem>>
      %dma_wait3A_248 = arith.constant 0 : i32
      %dma_wait3A_249 = arith.constant 0 : i32
      %dma_wait3A_250 = tpu.memref_slice %arg4[%add3A, %dma_wait3A_241, %dma_wait3A_248, %dma_wait3A_249] : memref<32x200x128x64xf32, #tpu.memory_space<hbm>> -> memref<1x1x128x64xf32, #tpu.memory_space<hbm>>
      %dma_wait3A_251 = tpu.memref_squeeze %dma_wait3A_250 : memref<1x1x128x64xf32, #tpu.memory_space<hbm>> -> memref<128x64xf32, #tpu.memory_space<hbm>>
      %dma_wait3A_252 = arith.constant 0 : i32
      %dma_wait3A_253 = arith.constant 0 : i32
      %dma_wait3A_254 = tpu.memref_slice %arg6[%dma_wait3A_242, %dma_wait3A_243, %dma_wait3A_252, %dma_wait3A_253] : memref<2x4x128x64xf32, #tpu.memory_space<vmem>> -> memref<1x1x128x64xf32, #tpu.memory_space<vmem>>
      %dma_wait3A_255 = tpu.memref_squeeze %dma_wait3A_254 : memref<1x1x128x64xf32, #tpu.memory_space<vmem>> -> memref<128x64xf32, #tpu.memory_space<vmem>>
      %dma_wait3A_256 = arith.constant 0 : i32
      %dma_wait3A_257 = arith.constant 0 : i32
      %dma_wait3A_258 = tpu.memref_slice %arg4[%add3A, %dma_wait3A_241, %dma_wait3A_256, %dma_wait3A_257] : memref<32x200x128x64xf32, #tpu.memory_space<hbm>> -> memref<1x1x128x64xf32, #tpu.memory_space<hbm>>
      %dma_wait3A_259 = tpu.memref_squeeze %dma_wait3A_258 : memref<1x1x128x64xf32, #tpu.memory_space<hbm>> -> memref<128x64xf32, #tpu.memory_space<hbm>>
      tpu.wait_dma2 semaphore(%arg7 : memref<!tpu.dma_semaphore, #tpu.memory_space<semaphore_mem>>) src(%dma_wait3A_259 : memref<128x64xf32, #tpu.memory_space<hbm>>) dst(%dma_wait3A_255 : memref<128x64xf32, #tpu.memory_space<vmem>>)
      %dma_wait3A_260 = arith.constant 0 : i32
      %dma_wait3A_261 = arith.constant 0 : i32
      %dma_wait3A_262 = arith.constant 0 : i32
      %dma_wait3A_263 = arith.constant 0 : i32
      %dma_wait3A_264 = arith.constant 0 : i32
      %dma_wait3A_265 = tpu.memref_slice %arg6[%dma_wait3A_261, %dma_wait3A_262, %dma_wait3A_263, %dma_wait3A_264] : memref<2x4x128x64xf32, #tpu.memory_space<vmem>> -> memref<1x1x128x64xf32, #tpu.memory_space<vmem>>
      %dma_wait3A_266 = tpu.memref_squeeze %dma_wait3A_265 : memref<1x1x128x64xf32, #tpu.memory_space<vmem>> -> memref<128x64xf32, #tpu.memory_space<vmem>>
      %dma_wait3A_267 = arith.constant 0 : i32
      %dma_wait3A_268 = arith.constant 0 : i32
      %dma_wait3A_269 = tpu.memref_slice %arg4[%add3A, %dma_wait3A_260, %dma_wait3A_267, %dma_wait3A_268] : memref<32x200x128x64xf32, #tpu.memory_space<hbm>> -> memref<1x1x128x64xf32, #tpu.memory_space<hbm>>
      %dma_wait3A_270 = tpu.memref_squeeze %dma_wait3A_269 : memref<1x1x128x64xf32, #tpu.memory_space<hbm>> -> memref<128x64xf32, #tpu.memory_space<hbm>>
      %dma_wait3A_271 = arith.constant 0 : i32
      %dma_wait3A_272 = arith.constant 0 : i32
      %dma_wait3A_273 = tpu.memref_slice %arg6[%dma_wait3A_261, %dma_wait3A_262, %dma_wait3A_271, %dma_wait3A_272] : memref<2x4x128x64xf32, #tpu.memory_space<vmem>> -> memref<1x1x128x64xf32, #tpu.memory_space<vmem>>
      %dma_wait3A_274 = tpu.memref_squeeze %dma_wait3A_273 : memref<1x1x128x64xf32, #tpu.memory_space<vmem>> -> memref<128x64xf32, #tpu.memory_space<vmem>>
      %dma_wait3A_275 = arith.constant 0 : i32
      %dma_wait3A_276 = arith.constant 0 : i32
      %dma_wait3A_277 = tpu.memref_slice %arg4[%add3A, %dma_wait3A_260, %dma_wait3A_275, %dma_wait3A_276] : memref<32x200x128x64xf32, #tpu.memory_space<hbm>> -> memref<1x1x128x64xf32, #tpu.memory_space<hbm>>
      %dma_wait3A_278 = tpu.memref_squeeze %dma_wait3A_277 : memref<1x1x128x64xf32, #tpu.memory_space<hbm>> -> memref<128x64xf32, #tpu.memory_space<hbm>>
      tpu.wait_dma2 semaphore(%arg7 : memref<!tpu.dma_semaphore, #tpu.memory_space<semaphore_mem>>) src(%dma_wait3A_278 : memref<128x64xf32, #tpu.memory_space<hbm>>) dst(%dma_wait3A_274 : memref<128x64xf32, #tpu.memory_space<vmem>>)
      %mul3A_279 = arith.constant 4 : i32
      %mul3A_280 = arith.muli %mul3A_134, %mul3A_279 : i32
      %add3A_281 = arith.constant 0 : i32
      %add3A_282 = arith.addi %mul3A_280, %add3A_281 : i32
      %dma_start3A_283 = arith.constant 0 : i32
      %dma_start3A_284 = arith.constant 0 : i32
      %dma_start3A_285 = arith.constant 0 : i32
      %dma_start3A_286 = arith.constant 0 : i32
      %dma_start3A_287 = tpu.memref_slice %arg6[%dma_start3A_283, %dma_start3A_284, %dma_start3A_285, %dma_start3A_286] : memref<2x4x128x64xf32, #tpu.memory_space<vmem>> -> memref<1x1x128x64xf32, #tpu.memory_space<vmem>>
      %dma_start3A_288 = tpu.memref_squeeze %dma_start3A_287 : memref<1x1x128x64xf32, #tpu.memory_space<vmem>> -> memref<128x64xf32, #tpu.memory_space<vmem>>
      %dma_start3A_289 = arith.constant 0 : i32
      %dma_start3A_290 = arith.constant 0 : i32
      %dma_start3A_291 = tpu.memref_slice %arg4[%add3A, %add3A_282, %dma_start3A_289, %dma_start3A_290] : memref<32x200x128x64xf32, #tpu.memory_space<hbm>> -> memref<1x1x128x64xf32, #tpu.memory_space<hbm>>
      %dma_start3A_292 = tpu.memref_squeeze %dma_start3A_291 : memref<1x1x128x64xf32, #tpu.memory_space<hbm>> -> memref<128x64xf32, #tpu.memory_space<hbm>>
      %dma_start3A_293 = arith.constant 0 : i32
      %dma_start3A_294 = arith.constant 0 : i32
      %dma_start3A_295 = tpu.memref_slice %arg4[%add3A, %add3A_282, %dma_start3A_293, %dma_start3A_294] : memref<32x200x128x64xf32, #tpu.memory_space<hbm>> -> memref<1x1x128x64xf32, #tpu.memory_space<hbm>>
      %dma_start3A_296 = tpu.memref_squeeze %dma_start3A_295 : memref<1x1x128x64xf32, #tpu.memory_space<hbm>> -> memref<128x64xf32, #tpu.memory_space<hbm>>
      %dma_start3A_297 = arith.constant 0 : i32
      %dma_start3A_298 = arith.constant 0 : i32
      %dma_start3A_299 = tpu.memref_slice %arg6[%dma_start3A_283, %dma_start3A_284, %dma_start3A_297, %dma_start3A_298] : memref<2x4x128x64xf32, #tpu.memory_space<vmem>> -> memref<1x1x128x64xf32, #tpu.memory_space<vmem>>
      %dma_start3A_300 = tpu.memref_squeeze %dma_start3A_299 : memref<1x1x128x64xf32, #tpu.memory_space<vmem>> -> memref<128x64xf32, #tpu.memory_space<vmem>>
      tpu.enqueue_dma source(%dma_start3A_300 : memref<128x64xf32, #tpu.memory_space<vmem>>) target(%dma_start3A_296 : memref<128x64xf32, #tpu.memory_space<hbm>>) target_semaphore(%arg8 : memref<!tpu.dma_semaphore, #tpu.memory_space<semaphore_mem>>)
      %mul3A_301 = arith.constant 4 : i32
      %mul3A_302 = arith.muli %mul3A_134, %mul3A_301 : i32
      %add3A_303 = arith.constant 1 : i32
      %add3A_304 = arith.addi %mul3A_302, %add3A_303 : i32
      %dma_start3A_305 = arith.constant 0 : i32
      %dma_start3A_306 = arith.constant 1 : i32
      %dma_start3A_307 = arith.constant 0 : i32
      %dma_start3A_308 = arith.constant 0 : i32
      %dma_start3A_309 = tpu.memref_slice %arg6[%dma_start3A_305, %dma_start3A_306, %dma_start3A_307, %dma_start3A_308] : memref<2x4x128x64xf32, #tpu.memory_space<vmem>> -> memref<1x1x128x64xf32, #tpu.memory_space<vmem>>
      %dma_start3A_310 = tpu.memref_squeeze %dma_start3A_309 : memref<1x1x128x64xf32, #tpu.memory_space<vmem>> -> memref<128x64xf32, #tpu.memory_space<vmem>>
      %dma_start3A_311 = arith.constant 0 : i32
      %dma_start3A_312 = arith.constant 0 : i32
      %dma_start3A_313 = tpu.memref_slice %arg4[%add3A, %add3A_304, %dma_start3A_311, %dma_start3A_312] : memref<32x200x128x64xf32, #tpu.memory_space<hbm>> -> memref<1x1x128x64xf32, #tpu.memory_space<hbm>>
      %dma_start3A_314 = tpu.memref_squeeze %dma_start3A_313 : memref<1x1x128x64xf32, #tpu.memory_space<hbm>> -> memref<128x64xf32, #tpu.memory_space<hbm>>
      %dma_start3A_315 = arith.constant 0 : i32
      %dma_start3A_316 = arith.constant 0 : i32
      %dma_start3A_317 = tpu.memref_slice %arg4[%add3A, %add3A_304, %dma_start3A_315, %dma_start3A_316] : memref<32x200x128x64xf32, #tpu.memory_space<hbm>> -> memref<1x1x128x64xf32, #tpu.memory_space<hbm>>
      %dma_start3A_318 = tpu.memref_squeeze %dma_start3A_317 : memref<1x1x128x64xf32, #tpu.memory_space<hbm>> -> memref<128x64xf32, #tpu.memory_space<hbm>>
      %dma_start3A_319 = arith.constant 0 : i32
      %dma_start3A_320 = arith.constant 0 : i32
      %dma_start3A_321 = tpu.memref_slice %arg6[%dma_start3A_305, %dma_start3A_306, %dma_start3A_319, %dma_start3A_320] : memref<2x4x128x64xf32, #tpu.memory_space<vmem>> -> memref<1x1x128x64xf32, #tpu.memory_space<vmem>>
      %dma_start3A_322 = tpu.memref_squeeze %dma_start3A_321 : memref<1x1x128x64xf32, #tpu.memory_space<vmem>> -> memref<128x64xf32, #tpu.memory_space<vmem>>
      tpu.enqueue_dma source(%dma_start3A_322 : memref<128x64xf32, #tpu.memory_space<vmem>>) target(%dma_start3A_318 : memref<128x64xf32, #tpu.memory_space<hbm>>) target_semaphore(%arg8 : memref<!tpu.dma_semaphore, #tpu.memory_space<semaphore_mem>>)
      %mul3A_323 = arith.constant 4 : i32
      %mul3A_324 = arith.muli %mul3A_134, %mul3A_323 : i32
      %add3A_325 = arith.constant 2 : i32
      %add3A_326 = arith.addi %mul3A_324, %add3A_325 : i32
      %dma_start3A_327 = arith.constant 0 : i32
      %dma_start3A_328 = arith.constant 2 : i32
      %dma_start3A_329 = arith.constant 0 : i32
      %dma_start3A_330 = arith.constant 0 : i32
      %dma_start3A_331 = tpu.memref_slice %arg6[%dma_start3A_327, %dma_start3A_328, %dma_start3A_329, %dma_start3A_330] : memref<2x4x128x64xf32, #tpu.memory_space<vmem>> -> memref<1x1x128x64xf32, #tpu.memory_space<vmem>>
      %dma_start3A_332 = tpu.memref_squeeze %dma_start3A_331 : memref<1x1x128x64xf32, #tpu.memory_space<vmem>> -> memref<128x64xf32, #tpu.memory_space<vmem>>
      %dma_start3A_333 = arith.constant 0 : i32
      %dma_start3A_334 = arith.constant 0 : i32
      %dma_start3A_335 = tpu.memref_slice %arg4[%add3A, %add3A_326, %dma_start3A_333, %dma_start3A_334] : memref<32x200x128x64xf32, #tpu.memory_space<hbm>> -> memref<1x1x128x64xf32, #tpu.memory_space<hbm>>
      %dma_start3A_336 = tpu.memref_squeeze %dma_start3A_335 : memref<1x1x128x64xf32, #tpu.memory_space<hbm>> -> memref<128x64xf32, #tpu.memory_space<hbm>>
      %dma_start3A_337 = arith.constant 0 : i32
      %dma_start3A_338 = arith.constant 0 : i32
      %dma_start3A_339 = tpu.memref_slice %arg4[%add3A, %add3A_326, %dma_start3A_337, %dma_start3A_338] : memref<32x200x128x64xf32, #tpu.memory_space<hbm>> -> memref<1x1x128x64xf32, #tpu.memory_space<hbm>>
      %dma_start3A_340 = tpu.memref_squeeze %dma_start3A_339 : memref<1x1x128x64xf32, #tpu.memory_space<hbm>> -> memref<128x64xf32, #tpu.memory_space<hbm>>
      %dma_start3A_341 = arith.constant 0 : i32
      %dma_start3A_342 = arith.constant 0 : i32
      %dma_start3A_343 = tpu.memref_slice %arg6[%dma_start3A_327, %dma_start3A_328, %dma_start3A_341, %dma_start3A_342] : memref<2x4x128x64xf32, #tpu.memory_space<vmem>> -> memref<1x1x128x64xf32, #tpu.memory_space<vmem>>
      %dma_start3A_344 = tpu.memref_squeeze %dma_start3A_343 : memref<1x1x128x64xf32, #tpu.memory_space<vmem>> -> memref<128x64xf32, #tpu.memory_space<vmem>>
      tpu.enqueue_dma source(%dma_start3A_344 : memref<128x64xf32, #tpu.memory_space<vmem>>) target(%dma_start3A_340 : memref<128x64xf32, #tpu.memory_space<hbm>>) target_semaphore(%arg8 : memref<!tpu.dma_semaphore, #tpu.memory_space<semaphore_mem>>)
      %mul3A_345 = arith.constant 4 : i32
      %mul3A_346 = arith.muli %mul3A_134, %mul3A_345 : i32
      %add3A_347 = arith.constant 3 : i32
      %add3A_348 = arith.addi %mul3A_346, %add3A_347 : i32
      %dma_start3A_349 = arith.constant 0 : i32
      %dma_start3A_350 = arith.constant 3 : i32
      %dma_start3A_351 = arith.constant 0 : i32
      %dma_start3A_352 = arith.constant 0 : i32
      %dma_start3A_353 = tpu.memref_slice %arg6[%dma_start3A_349, %dma_start3A_350, %dma_start3A_351, %dma_start3A_352] : memref<2x4x128x64xf32, #tpu.memory_space<vmem>> -> memref<1x1x128x64xf32, #tpu.memory_space<vmem>>
      %dma_start3A_354 = tpu.memref_squeeze %dma_start3A_353 : memref<1x1x128x64xf32, #tpu.memory_space<vmem>> -> memref<128x64xf32, #tpu.memory_space<vmem>>
      %dma_start3A_355 = arith.constant 0 : i32
      %dma_start3A_356 = arith.constant 0 : i32
      %dma_start3A_357 = tpu.memref_slice %arg4[%add3A, %add3A_348, %dma_start3A_355, %dma_start3A_356] : memref<32x200x128x64xf32, #tpu.memory_space<hbm>> -> memref<1x1x128x64xf32, #tpu.memory_space<hbm>>
      %dma_start3A_358 = tpu.memref_squeeze %dma_start3A_357 : memref<1x1x128x64xf32, #tpu.memory_space<hbm>> -> memref<128x64xf32, #tpu.memory_space<hbm>>
      %dma_start3A_359 = arith.constant 0 : i32
      %dma_start3A_360 = arith.constant 0 : i32
      %dma_start3A_361 = tpu.memref_slice %arg4[%add3A, %add3A_348, %dma_start3A_359, %dma_start3A_360] : memref<32x200x128x64xf32, #tpu.memory_space<hbm>> -> memref<1x1x128x64xf32, #tpu.memory_space<hbm>>
      %dma_start3A_362 = tpu.memref_squeeze %dma_start3A_361 : memref<1x1x128x64xf32, #tpu.memory_space<hbm>> -> memref<128x64xf32, #tpu.memory_space<hbm>>
      %dma_start3A_363 = arith.constant 0 : i32
      %dma_start3A_364 = arith.constant 0 : i32
      %dma_start3A_365 = tpu.memref_slice %arg6[%dma_start3A_349, %dma_start3A_350, %dma_start3A_363, %dma_start3A_364] : memref<2x4x128x64xf32, #tpu.memory_space<vmem>> -> memref<1x1x128x64xf32, #tpu.memory_space<vmem>>
      %dma_start3A_366 = tpu.memref_squeeze %dma_start3A_365 : memref<1x1x128x64xf32, #tpu.memory_space<vmem>> -> memref<128x64xf32, #tpu.memory_space<vmem>>
      tpu.enqueue_dma source(%dma_start3A_366 : memref<128x64xf32, #tpu.memory_space<vmem>>) target(%dma_start3A_362 : memref<128x64xf32, #tpu.memory_space<hbm>>) target_semaphore(%arg8 : memref<!tpu.dma_semaphore, #tpu.memory_space<semaphore_mem>>)
      %dma_wait3A_367 = arith.constant 0 : i32
      %dma_wait3A_368 = arith.constant 0 : i32
      %dma_wait3A_369 = arith.constant 0 : i32
      %dma_wait3A_370 = arith.constant 0 : i32
      %dma_wait3A_371 = arith.constant 0 : i32
      %dma_wait3A_372 = tpu.memref_slice %arg6[%dma_wait3A_368, %dma_wait3A_369, %dma_wait3A_370, %dma_wait3A_371] : memref<2x4x128x64xf32, #tpu.memory_space<vmem>> -> memref<1x1x128x64xf32, #tpu.memory_space<vmem>>
      %dma_wait3A_373 = tpu.memref_squeeze %dma_wait3A_372 : memref<1x1x128x64xf32, #tpu.memory_space<vmem>> -> memref<128x64xf32, #tpu.memory_space<vmem>>
      %dma_wait3A_374 = arith.constant 0 : i32
      %dma_wait3A_375 = arith.constant 0 : i32
      %dma_wait3A_376 = tpu.memref_slice %arg4[%add3A, %dma_wait3A_367, %dma_wait3A_374, %dma_wait3A_375] : memref<32x200x128x64xf32, #tpu.memory_space<hbm>> -> memref<1x1x128x64xf32, #tpu.memory_space<hbm>>
      %dma_wait3A_377 = tpu.memref_squeeze %dma_wait3A_376 : memref<1x1x128x64xf32, #tpu.memory_space<hbm>> -> memref<128x64xf32, #tpu.memory_space<hbm>>
      %dma_wait3A_378 = arith.constant 0 : i32
      %dma_wait3A_379 = arith.constant 0 : i32
      %dma_wait3A_380 = tpu.memref_slice %arg6[%dma_wait3A_368, %dma_wait3A_369, %dma_wait3A_378, %dma_wait3A_379] : memref<2x4x128x64xf32, #tpu.memory_space<vmem>> -> memref<1x1x128x64xf32, #tpu.memory_space<vmem>>
      %dma_wait3A_381 = tpu.memref_squeeze %dma_wait3A_380 : memref<1x1x128x64xf32, #tpu.memory_space<vmem>> -> memref<128x64xf32, #tpu.memory_space<vmem>>
      %dma_wait3A_382 = arith.constant 0 : i32
      %dma_wait3A_383 = arith.constant 0 : i32
      %dma_wait3A_384 = tpu.memref_slice %arg4[%add3A, %dma_wait3A_367, %dma_wait3A_382, %dma_wait3A_383] : memref<32x200x128x64xf32, #tpu.memory_space<hbm>> -> memref<1x1x128x64xf32, #tpu.memory_space<hbm>>
      %dma_wait3A_385 = tpu.memref_squeeze %dma_wait3A_384 : memref<1x1x128x64xf32, #tpu.memory_space<hbm>> -> memref<128x64xf32, #tpu.memory_space<hbm>>
      tpu.wait_dma2 semaphore(%arg7 : memref<!tpu.dma_semaphore, #tpu.memory_space<semaphore_mem>>) src(%dma_wait3A_385 : memref<128x64xf32, #tpu.memory_space<hbm>>) dst(%dma_wait3A_381 : memref<128x64xf32, #tpu.memory_space<vmem>>)
      %dma_wait3A_386 = arith.constant 0 : i32
      %dma_wait3A_387 = arith.constant 0 : i32
      %dma_wait3A_388 = arith.constant 0 : i32
      %dma_wait3A_389 = arith.constant 0 : i32
      %dma_wait3A_390 = arith.constant 0 : i32
      %dma_wait3A_391 = tpu.memref_slice %arg6[%dma_wait3A_387, %dma_wait3A_388, %dma_wait3A_389, %dma_wait3A_390] : memref<2x4x128x64xf32, #tpu.memory_space<vmem>> -> memref<1x1x128x64xf32, #tpu.memory_space<vmem>>
      %dma_wait3A_392 = tpu.memref_squeeze %dma_wait3A_391 : memref<1x1x128x64xf32, #tpu.memory_space<vmem>> -> memref<128x64xf32, #tpu.memory_space<vmem>>
      %dma_wait3A_393 = arith.constant 0 : i32
      %dma_wait3A_394 = arith.constant 0 : i32
      %dma_wait3A_395 = tpu.memref_slice %arg4[%add3A, %dma_wait3A_386, %dma_wait3A_393, %dma_wait3A_394] : memref<32x200x128x64xf32, #tpu.memory_space<hbm>> -> memref<1x1x128x64xf32, #tpu.memory_space<hbm>>
      %dma_wait3A_396 = tpu.memref_squeeze %dma_wait3A_395 : memref<1x1x128x64xf32, #tpu.memory_space<hbm>> -> memref<128x64xf32, #tpu.memory_space<hbm>>
      %dma_wait3A_397 = arith.constant 0 : i32
      %dma_wait3A_398 = arith.constant 0 : i32
      %dma_wait3A_399 = tpu.memref_slice %arg6[%dma_wait3A_387, %dma_wait3A_388, %dma_wait3A_397, %dma_wait3A_398] : memref<2x4x128x64xf32, #tpu.memory_space<vmem>> -> memref<1x1x128x64xf32, #tpu.memory_space<vmem>>
      %dma_wait3A_400 = tpu.memref_squeeze %dma_wait3A_399 : memref<1x1x128x64xf32, #tpu.memory_space<vmem>> -> memref<128x64xf32, #tpu.memory_space<vmem>>
      %dma_wait3A_401 = arith.constant 0 : i32
      %dma_wait3A_402 = arith.constant 0 : i32
      %dma_wait3A_403 = tpu.memref_slice %arg4[%add3A, %dma_wait3A_386, %dma_wait3A_401, %dma_wait3A_402] : memref<32x200x128x64xf32, #tpu.memory_space<hbm>> -> memref<1x1x128x64xf32, #tpu.memory_space<hbm>>
      %dma_wait3A_404 = tpu.memref_squeeze %dma_wait3A_403 : memref<1x1x128x64xf32, #tpu.memory_space<hbm>> -> memref<128x64xf32, #tpu.memory_space<hbm>>
      tpu.wait_dma2 semaphore(%arg7 : memref<!tpu.dma_semaphore, #tpu.memory_space<semaphore_mem>>) src(%dma_wait3A_404 : memref<128x64xf32, #tpu.memory_space<hbm>>) dst(%dma_wait3A_400 : memref<128x64xf32, #tpu.memory_space<vmem>>)
      %dma_wait3A_405 = arith.constant 0 : i32
      %dma_wait3A_406 = arith.constant 0 : i32
      %dma_wait3A_407 = arith.constant 0 : i32
      %dma_wait3A_408 = arith.constant 0 : i32
      %dma_wait3A_409 = arith.constant 0 : i32
      %dma_wait3A_410 = tpu.memref_slice %arg6[%dma_wait3A_406, %dma_wait3A_407, %dma_wait3A_408, %dma_wait3A_409] : memref<2x4x128x64xf32, #tpu.memory_space<vmem>> -> memref<1x1x128x64xf32, #tpu.memory_space<vmem>>
      %dma_wait3A_411 = tpu.memref_squeeze %dma_wait3A_410 : memref<1x1x128x64xf32, #tpu.memory_space<vmem>> -> memref<128x64xf32, #tpu.memory_space<vmem>>
      %dma_wait3A_412 = arith.constant 0 : i32
      %dma_wait3A_413 = arith.constant 0 : i32
      %dma_wait3A_414 = tpu.memref_slice %arg4[%add3A, %dma_wait3A_405, %dma_wait3A_412, %dma_wait3A_413] : memref<32x200x128x64xf32, #tpu.memory_space<hbm>> -> memref<1x1x128x64xf32, #tpu.memory_space<hbm>>
      %dma_wait3A_415 = tpu.memref_squeeze %dma_wait3A_414 : memref<1x1x128x64xf32, #tpu.memory_space<hbm>> -> memref<128x64xf32, #tpu.memory_space<hbm>>
      %dma_wait3A_416 = arith.constant 0 : i32
      %dma_wait3A_417 = arith.constant 0 : i32
      %dma_wait3A_418 = tpu.memref_slice %arg6[%dma_wait3A_406, %dma_wait3A_407, %dma_wait3A_416, %dma_wait3A_417] : memref<2x4x128x64xf32, #tpu.memory_space<vmem>> -> memref<1x1x128x64xf32, #tpu.memory_space<vmem>>
      %dma_wait3A_419 = tpu.memref_squeeze %dma_wait3A_418 : memref<1x1x128x64xf32, #tpu.memory_space<vmem>> -> memref<128x64xf32, #tpu.memory_space<vmem>>
      %dma_wait3A_420 = arith.constant 0 : i32
      %dma_wait3A_421 = arith.constant 0 : i32
      %dma_wait3A_422 = tpu.memref_slice %arg4[%add3A, %dma_wait3A_405, %dma_wait3A_420, %dma_wait3A_421] : memref<32x200x128x64xf32, #tpu.memory_space<hbm>> -> memref<1x1x128x64xf32, #tpu.memory_space<hbm>>
      %dma_wait3A_423 = tpu.memref_squeeze %dma_wait3A_422 : memref<1x1x128x64xf32, #tpu.memory_space<hbm>> -> memref<128x64xf32, #tpu.memory_space<hbm>>
      tpu.wait_dma2 semaphore(%arg7 : memref<!tpu.dma_semaphore, #tpu.memory_space<semaphore_mem>>) src(%dma_wait3A_423 : memref<128x64xf32, #tpu.memory_space<hbm>>) dst(%dma_wait3A_419 : memref<128x64xf32, #tpu.memory_space<vmem>>)
      %dma_wait3A_424 = arith.constant 0 : i32
      %dma_wait3A_425 = arith.constant 0 : i32
      %dma_wait3A_426 = arith.constant 0 : i32
      %dma_wait3A_427 = arith.constant 0 : i32
      %dma_wait3A_428 = arith.constant 0 : i32
      %dma_wait3A_429 = tpu.memref_slice %arg6[%dma_wait3A_425, %dma_wait3A_426, %dma_wait3A_427, %dma_wait3A_428] : memref<2x4x128x64xf32, #tpu.memory_space<vmem>> -> memref<1x1x128x64xf32, #tpu.memory_space<vmem>>
      %dma_wait3A_430 = tpu.memref_squeeze %dma_wait3A_429 : memref<1x1x128x64xf32, #tpu.memory_space<vmem>> -> memref<128x64xf32, #tpu.memory_space<vmem>>
      %dma_wait3A_431 = arith.constant 0 : i32
      %dma_wait3A_432 = arith.constant 0 : i32
      %dma_wait3A_433 = tpu.memref_slice %arg4[%add3A, %dma_wait3A_424, %dma_wait3A_431, %dma_wait3A_432] : memref<32x200x128x64xf32, #tpu.memory_space<hbm>> -> memref<1x1x128x64xf32, #tpu.memory_space<hbm>>
      %dma_wait3A_434 = tpu.memref_squeeze %dma_wait3A_433 : memref<1x1x128x64xf32, #tpu.memory_space<hbm>> -> memref<128x64xf32, #tpu.memory_space<hbm>>
      %dma_wait3A_435 = arith.constant 0 : i32
      %dma_wait3A_436 = arith.constant 0 : i32
      %dma_wait3A_437 = tpu.memref_slice %arg6[%dma_wait3A_425, %dma_wait3A_426, %dma_wait3A_435, %dma_wait3A_436] : memref<2x4x128x64xf32, #tpu.memory_space<vmem>> -> memref<1x1x128x64xf32, #tpu.memory_space<vmem>>
      %dma_wait3A_438 = tpu.memref_squeeze %dma_wait3A_437 : memref<1x1x128x64xf32, #tpu.memory_space<vmem>> -> memref<128x64xf32, #tpu.memory_space<vmem>>
      %dma_wait3A_439 = arith.constant 0 : i32
      %dma_wait3A_440 = arith.constant 0 : i32
      %dma_wait3A_441 = tpu.memref_slice %arg4[%add3A, %dma_wait3A_424, %dma_wait3A_439, %dma_wait3A_440] : memref<32x200x128x64xf32, #tpu.memory_space<hbm>> -> memref<1x1x128x64xf32, #tpu.memory_space<hbm>>
      %dma_wait3A_442 = tpu.memref_squeeze %dma_wait3A_441 : memref<1x1x128x64xf32, #tpu.memory_space<hbm>> -> memref<128x64xf32, #tpu.memory_space<hbm>>
      tpu.wait_dma2 semaphore(%arg7 : memref<!tpu.dma_semaphore, #tpu.memory_space<semaphore_mem>>) src(%dma_wait3A_442 : memref<128x64xf32, #tpu.memory_space<hbm>>) dst(%dma_wait3A_438 : memref<128x64xf32, #tpu.memory_space<vmem>>)
      %mul3A_443 = arith.constant 4 : i32
      %mul3A_444 = arith.muli %add3A_136, %mul3A_443 : i32
      %add3A_445 = arith.constant 0 : i32
      %add3A_446 = arith.addi %mul3A_444, %add3A_445 : i32
      %dma_start3A_447 = arith.constant 1 : i32
      %dma_start3A_448 = arith.constant 0 : i32
      %dma_start3A_449 = arith.constant 0 : i32
      %dma_start3A_450 = arith.constant 0 : i32
      %dma_start3A_451 = tpu.memref_slice %arg6[%dma_start3A_447, %dma_start3A_448, %dma_start3A_449, %dma_start3A_450] : memref<2x4x128x64xf32, #tpu.memory_space<vmem>> -> memref<1x1x128x64xf32, #tpu.memory_space<vmem>>
      %dma_start3A_452 = tpu.memref_squeeze %dma_start3A_451 : memref<1x1x128x64xf32, #tpu.memory_space<vmem>> -> memref<128x64xf32, #tpu.memory_space<vmem>>
      %dma_start3A_453 = arith.constant 0 : i32
      %dma_start3A_454 = arith.constant 0 : i32
      %dma_start3A_455 = tpu.memref_slice %arg4[%add3A, %add3A_446, %dma_start3A_453, %dma_start3A_454] : memref<32x200x128x64xf32, #tpu.memory_space<hbm>> -> memref<1x1x128x64xf32, #tpu.memory_space<hbm>>
      %dma_start3A_456 = tpu.memref_squeeze %dma_start3A_455 : memref<1x1x128x64xf32, #tpu.memory_space<hbm>> -> memref<128x64xf32, #tpu.memory_space<hbm>>
      %dma_start3A_457 = arith.constant 0 : i32
      %dma_start3A_458 = arith.constant 0 : i32
      %dma_start3A_459 = tpu.memref_slice %arg4[%add3A, %add3A_446, %dma_start3A_457, %dma_start3A_458] : memref<32x200x128x64xf32, #tpu.memory_space<hbm>> -> memref<1x1x128x64xf32, #tpu.memory_space<hbm>>
      %dma_start3A_460 = tpu.memref_squeeze %dma_start3A_459 : memref<1x1x128x64xf32, #tpu.memory_space<hbm>> -> memref<128x64xf32, #tpu.memory_space<hbm>>
      %dma_start3A_461 = arith.constant 0 : i32
      %dma_start3A_462 = arith.constant 0 : i32
      %dma_start3A_463 = tpu.memref_slice %arg6[%dma_start3A_447, %dma_start3A_448, %dma_start3A_461, %dma_start3A_462] : memref<2x4x128x64xf32, #tpu.memory_space<vmem>> -> memref<1x1x128x64xf32, #tpu.memory_space<vmem>>
      %dma_start3A_464 = tpu.memref_squeeze %dma_start3A_463 : memref<1x1x128x64xf32, #tpu.memory_space<vmem>> -> memref<128x64xf32, #tpu.memory_space<vmem>>
      tpu.enqueue_dma source(%dma_start3A_464 : memref<128x64xf32, #tpu.memory_space<vmem>>) target(%dma_start3A_460 : memref<128x64xf32, #tpu.memory_space<hbm>>) target_semaphore(%arg8 : memref<!tpu.dma_semaphore, #tpu.memory_space<semaphore_mem>>)
      %mul3A_465 = arith.constant 4 : i32
      %mul3A_466 = arith.muli %add3A_136, %mul3A_465 : i32
      %add3A_467 = arith.constant 1 : i32
      %add3A_468 = arith.addi %mul3A_466, %add3A_467 : i32
      %dma_start3A_469 = arith.constant 1 : i32
      %dma_start3A_470 = arith.constant 1 : i32
      %dma_start3A_471 = arith.constant 0 : i32
      %dma_start3A_472 = arith.constant 0 : i32
      %dma_start3A_473 = tpu.memref_slice %arg6[%dma_start3A_469, %dma_start3A_470, %dma_start3A_471, %dma_start3A_472] : memref<2x4x128x64xf32, #tpu.memory_space<vmem>> -> memref<1x1x128x64xf32, #tpu.memory_space<vmem>>
      %dma_start3A_474 = tpu.memref_squeeze %dma_start3A_473 : memref<1x1x128x64xf32, #tpu.memory_space<vmem>> -> memref<128x64xf32, #tpu.memory_space<vmem>>
      %dma_start3A_475 = arith.constant 0 : i32
      %dma_start3A_476 = arith.constant 0 : i32
      %dma_start3A_477 = tpu.memref_slice %arg4[%add3A, %add3A_468, %dma_start3A_475, %dma_start3A_476] : memref<32x200x128x64xf32, #tpu.memory_space<hbm>> -> memref<1x1x128x64xf32, #tpu.memory_space<hbm>>
      %dma_start3A_478 = tpu.memref_squeeze %dma_start3A_477 : memref<1x1x128x64xf32, #tpu.memory_space<hbm>> -> memref<128x64xf32, #tpu.memory_space<hbm>>
      %dma_start3A_479 = arith.constant 0 : i32
      %dma_start3A_480 = arith.constant 0 : i32
      %dma_start3A_481 = tpu.memref_slice %arg4[%add3A, %add3A_468, %dma_start3A_479, %dma_start3A_480] : memref<32x200x128x64xf32, #tpu.memory_space<hbm>> -> memref<1x1x128x64xf32, #tpu.memory_space<hbm>>
      %dma_start3A_482 = tpu.memref_squeeze %dma_start3A_481 : memref<1x1x128x64xf32, #tpu.memory_space<hbm>> -> memref<128x64xf32, #tpu.memory_space<hbm>>
      %dma_start3A_483 = arith.constant 0 : i32
      %dma_start3A_484 = arith.constant 0 : i32
      %dma_start3A_485 = tpu.memref_slice %arg6[%dma_start3A_469, %dma_start3A_470, %dma_start3A_483, %dma_start3A_484] : memref<2x4x128x64xf32, #tpu.memory_space<vmem>> -> memref<1x1x128x64xf32, #tpu.memory_space<vmem>>
      %dma_start3A_486 = tpu.memref_squeeze %dma_start3A_485 : memref<1x1x128x64xf32, #tpu.memory_space<vmem>> -> memref<128x64xf32, #tpu.memory_space<vmem>>
      tpu.enqueue_dma source(%dma_start3A_486 : memref<128x64xf32, #tpu.memory_space<vmem>>) target(%dma_start3A_482 : memref<128x64xf32, #tpu.memory_space<hbm>>) target_semaphore(%arg8 : memref<!tpu.dma_semaphore, #tpu.memory_space<semaphore_mem>>)
      %mul3A_487 = arith.constant 4 : i32
      %mul3A_488 = arith.muli %add3A_136, %mul3A_487 : i32
      %add3A_489 = arith.constant 2 : i32
      %add3A_490 = arith.addi %mul3A_488, %add3A_489 : i32
      %dma_start3A_491 = arith.constant 1 : i32
      %dma_start3A_492 = arith.constant 2 : i32
      %dma_start3A_493 = arith.constant 0 : i32
      %dma_start3A_494 = arith.constant 0 : i32
      %dma_start3A_495 = tpu.memref_slice %arg6[%dma_start3A_491, %dma_start3A_492, %dma_start3A_493, %dma_start3A_494] : memref<2x4x128x64xf32, #tpu.memory_space<vmem>> -> memref<1x1x128x64xf32, #tpu.memory_space<vmem>>
      %dma_start3A_496 = tpu.memref_squeeze %dma_start3A_495 : memref<1x1x128x64xf32, #tpu.memory_space<vmem>> -> memref<128x64xf32, #tpu.memory_space<vmem>>
      %dma_start3A_497 = arith.constant 0 : i32
      %dma_start3A_498 = arith.constant 0 : i32
      %dma_start3A_499 = tpu.memref_slice %arg4[%add3A, %add3A_490, %dma_start3A_497, %dma_start3A_498] : memref<32x200x128x64xf32, #tpu.memory_space<hbm>> -> memref<1x1x128x64xf32, #tpu.memory_space<hbm>>
      %dma_start3A_500 = tpu.memref_squeeze %dma_start3A_499 : memref<1x1x128x64xf32, #tpu.memory_space<hbm>> -> memref<128x64xf32, #tpu.memory_space<hbm>>
      %dma_start3A_501 = arith.constant 0 : i32
      %dma_start3A_502 = arith.constant 0 : i32
      %dma_start3A_503 = tpu.memref_slice %arg4[%add3A, %add3A_490, %dma_start3A_501, %dma_start3A_502] : memref<32x200x128x64xf32, #tpu.memory_space<hbm>> -> memref<1x1x128x64xf32, #tpu.memory_space<hbm>>
      %dma_start3A_504 = tpu.memref_squeeze %dma_start3A_503 : memref<1x1x128x64xf32, #tpu.memory_space<hbm>> -> memref<128x64xf32, #tpu.memory_space<hbm>>
      %dma_start3A_505 = arith.constant 0 : i32
      %dma_start3A_506 = arith.constant 0 : i32
      %dma_start3A_507 = tpu.memref_slice %arg6[%dma_start3A_491, %dma_start3A_492, %dma_start3A_505, %dma_start3A_506] : memref<2x4x128x64xf32, #tpu.memory_space<vmem>> -> memref<1x1x128x64xf32, #tpu.memory_space<vmem>>
      %dma_start3A_508 = tpu.memref_squeeze %dma_start3A_507 : memref<1x1x128x64xf32, #tpu.memory_space<vmem>> -> memref<128x64xf32, #tpu.memory_space<vmem>>
      tpu.enqueue_dma source(%dma_start3A_508 : memref<128x64xf32, #tpu.memory_space<vmem>>) target(%dma_start3A_504 : memref<128x64xf32, #tpu.memory_space<hbm>>) target_semaphore(%arg8 : memref<!tpu.dma_semaphore, #tpu.memory_space<semaphore_mem>>)
      %mul3A_509 = arith.constant 4 : i32
      %mul3A_510 = arith.muli %add3A_136, %mul3A_509 : i32
      %add3A_511 = arith.constant 3 : i32
      %add3A_512 = arith.addi %mul3A_510, %add3A_511 : i32
      %dma_start3A_513 = arith.constant 1 : i32
      %dma_start3A_514 = arith.constant 3 : i32
      %dma_start3A_515 = arith.constant 0 : i32
      %dma_start3A_516 = arith.constant 0 : i32
      %dma_start3A_517 = tpu.memref_slice %arg6[%dma_start3A_513, %dma_start3A_514, %dma_start3A_515, %dma_start3A_516] : memref<2x4x128x64xf32, #tpu.memory_space<vmem>> -> memref<1x1x128x64xf32, #tpu.memory_space<vmem>>
      %dma_start3A_518 = tpu.memref_squeeze %dma_start3A_517 : memref<1x1x128x64xf32, #tpu.memory_space<vmem>> -> memref<128x64xf32, #tpu.memory_space<vmem>>
      %dma_start3A_519 = arith.constant 0 : i32
      %dma_start3A_520 = arith.constant 0 : i32
      %dma_start3A_521 = tpu.memref_slice %arg4[%add3A, %add3A_512, %dma_start3A_519, %dma_start3A_520] : memref<32x200x128x64xf32, #tpu.memory_space<hbm>> -> memref<1x1x128x64xf32, #tpu.memory_space<hbm>>
      %dma_start3A_522 = tpu.memref_squeeze %dma_start3A_521 : memref<1x1x128x64xf32, #tpu.memory_space<hbm>> -> memref<128x64xf32, #tpu.memory_space<hbm>>
      %dma_start3A_523 = arith.constant 0 : i32
      %dma_start3A_524 = arith.constant 0 : i32
      %dma_start3A_525 = tpu.memref_slice %arg4[%add3A, %add3A_512, %dma_start3A_523, %dma_start3A_524] : memref<32x200x128x64xf32, #tpu.memory_space<hbm>> -> memref<1x1x128x64xf32, #tpu.memory_space<hbm>>
      %dma_start3A_526 = tpu.memref_squeeze %dma_start3A_525 : memref<1x1x128x64xf32, #tpu.memory_space<hbm>> -> memref<128x64xf32, #tpu.memory_space<hbm>>
      %dma_start3A_527 = arith.constant 0 : i32
      %dma_start3A_528 = arith.constant 0 : i32
      %dma_start3A_529 = tpu.memref_slice %arg6[%dma_start3A_513, %dma_start3A_514, %dma_start3A_527, %dma_start3A_528] : memref<2x4x128x64xf32, #tpu.memory_space<vmem>> -> memref<1x1x128x64xf32, #tpu.memory_space<vmem>>
      %dma_start3A_530 = tpu.memref_squeeze %dma_start3A_529 : memref<1x1x128x64xf32, #tpu.memory_space<vmem>> -> memref<128x64xf32, #tpu.memory_space<vmem>>
      tpu.enqueue_dma source(%dma_start3A_530 : memref<128x64xf32, #tpu.memory_space<vmem>>) target(%dma_start3A_526 : memref<128x64xf32, #tpu.memory_space<hbm>>) target_semaphore(%arg8 : memref<!tpu.dma_semaphore, #tpu.memory_space<semaphore_mem>>)
      %dma_wait3A_531 = arith.constant 0 : i32
      %dma_wait3A_532 = arith.constant 0 : i32
      %dma_wait3A_533 = arith.constant 0 : i32
      %dma_wait3A_534 = arith.constant 0 : i32
      %dma_wait3A_535 = arith.constant 0 : i32
      %dma_wait3A_536 = tpu.memref_slice %arg6[%dma_wait3A_532, %dma_wait3A_533, %dma_wait3A_534, %dma_wait3A_535] : memref<2x4x128x64xf32, #tpu.memory_space<vmem>> -> memref<1x1x128x64xf32, #tpu.memory_space<vmem>>
      %dma_wait3A_537 = tpu.memref_squeeze %dma_wait3A_536 : memref<1x1x128x64xf32, #tpu.memory_space<vmem>> -> memref<128x64xf32, #tpu.memory_space<vmem>>
      %dma_wait3A_538 = arith.constant 0 : i32
      %dma_wait3A_539 = arith.constant 0 : i32
      %dma_wait3A_540 = tpu.memref_slice %arg4[%add3A, %dma_wait3A_531, %dma_wait3A_538, %dma_wait3A_539] : memref<32x200x128x64xf32, #tpu.memory_space<hbm>> -> memref<1x1x128x64xf32, #tpu.memory_space<hbm>>
      %dma_wait3A_541 = tpu.memref_squeeze %dma_wait3A_540 : memref<1x1x128x64xf32, #tpu.memory_space<hbm>> -> memref<128x64xf32, #tpu.memory_space<hbm>>
      %dma_wait3A_542 = arith.constant 0 : i32
      %dma_wait3A_543 = arith.constant 0 : i32
      %dma_wait3A_544 = tpu.memref_slice %arg6[%dma_wait3A_532, %dma_wait3A_533, %dma_wait3A_542, %dma_wait3A_543] : memref<2x4x128x64xf32, #tpu.memory_space<vmem>> -> memref<1x1x128x64xf32, #tpu.memory_space<vmem>>
      %dma_wait3A_545 = tpu.memref_squeeze %dma_wait3A_544 : memref<1x1x128x64xf32, #tpu.memory_space<vmem>> -> memref<128x64xf32, #tpu.memory_space<vmem>>
      %dma_wait3A_546 = arith.constant 0 : i32
      %dma_wait3A_547 = arith.constant 0 : i32
      %dma_wait3A_548 = tpu.memref_slice %arg4[%add3A, %dma_wait3A_531, %dma_wait3A_546, %dma_wait3A_547] : memref<32x200x128x64xf32, #tpu.memory_space<hbm>> -> memref<1x1x128x64xf32, #tpu.memory_space<hbm>>
      %dma_wait3A_549 = tpu.memref_squeeze %dma_wait3A_548 : memref<1x1x128x64xf32, #tpu.memory_space<hbm>> -> memref<128x64xf32, #tpu.memory_space<hbm>>
      tpu.wait_dma2 semaphore(%arg8 : memref<!tpu.dma_semaphore, #tpu.memory_space<semaphore_mem>>) src(%dma_wait3A_549 : memref<128x64xf32, #tpu.memory_space<hbm>>) dst(%dma_wait3A_545 : memref<128x64xf32, #tpu.memory_space<vmem>>)
      %dma_wait3A_550 = arith.constant 0 : i32
      %dma_wait3A_551 = arith.constant 0 : i32
      %dma_wait3A_552 = arith.constant 0 : i32
      %dma_wait3A_553 = arith.constant 0 : i32
      %dma_wait3A_554 = arith.constant 0 : i32
      %dma_wait3A_555 = tpu.memref_slice %arg6[%dma_wait3A_551, %dma_wait3A_552, %dma_wait3A_553, %dma_wait3A_554] : memref<2x4x128x64xf32, #tpu.memory_space<vmem>> -> memref<1x1x128x64xf32, #tpu.memory_space<vmem>>
      %dma_wait3A_556 = tpu.memref_squeeze %dma_wait3A_555 : memref<1x1x128x64xf32, #tpu.memory_space<vmem>> -> memref<128x64xf32, #tpu.memory_space<vmem>>
      %dma_wait3A_557 = arith.constant 0 : i32
      %dma_wait3A_558 = arith.constant 0 : i32
      %dma_wait3A_559 = tpu.memref_slice %arg4[%add3A, %dma_wait3A_550, %dma_wait3A_557, %dma_wait3A_558] : memref<32x200x128x64xf32, #tpu.memory_space<hbm>> -> memref<1x1x128x64xf32, #tpu.memory_space<hbm>>
      %dma_wait3A_560 = tpu.memref_squeeze %dma_wait3A_559 : memref<1x1x128x64xf32, #tpu.memory_space<hbm>> -> memref<128x64xf32, #tpu.memory_space<hbm>>
      %dma_wait3A_561 = arith.constant 0 : i32
      %dma_wait3A_562 = arith.constant 0 : i32
      %dma_wait3A_563 = tpu.memref_slice %arg6[%dma_wait3A_551, %dma_wait3A_552, %dma_wait3A_561, %dma_wait3A_562] : memref<2x4x128x64xf32, #tpu.memory_space<vmem>> -> memref<1x1x128x64xf32, #tpu.memory_space<vmem>>
      %dma_wait3A_564 = tpu.memref_squeeze %dma_wait3A_563 : memref<1x1x128x64xf32, #tpu.memory_space<vmem>> -> memref<128x64xf32, #tpu.memory_space<vmem>>
      %dma_wait3A_565 = arith.constant 0 : i32
      %dma_wait3A_566 = arith.constant 0 : i32
      %dma_wait3A_567 = tpu.memref_slice %arg4[%add3A, %dma_wait3A_550, %dma_wait3A_565, %dma_wait3A_566] : memref<32x200x128x64xf32, #tpu.memory_space<hbm>> -> memref<1x1x128x64xf32, #tpu.memory_space<hbm>>
      %dma_wait3A_568 = tpu.memref_squeeze %dma_wait3A_567 : memref<1x1x128x64xf32, #tpu.memory_space<hbm>> -> memref<128x64xf32, #tpu.memory_space<hbm>>
      tpu.wait_dma2 semaphore(%arg8 : memref<!tpu.dma_semaphore, #tpu.memory_space<semaphore_mem>>) src(%dma_wait3A_568 : memref<128x64xf32, #tpu.memory_space<hbm>>) dst(%dma_wait3A_564 : memref<128x64xf32, #tpu.memory_space<vmem>>)
      %dma_wait3A_569 = arith.constant 0 : i32
      %dma_wait3A_570 = arith.constant 0 : i32
      %dma_wait3A_571 = arith.constant 0 : i32
      %dma_wait3A_572 = arith.constant 0 : i32
      %dma_wait3A_573 = arith.constant 0 : i32
      %dma_wait3A_574 = tpu.memref_slice %arg6[%dma_wait3A_570, %dma_wait3A_571, %dma_wait3A_572, %dma_wait3A_573] : memref<2x4x128x64xf32, #tpu.memory_space<vmem>> -> memref<1x1x128x64xf32, #tpu.memory_space<vmem>>
      %dma_wait3A_575 = tpu.memref_squeeze %dma_wait3A_574 : memref<1x1x128x64xf32, #tpu.memory_space<vmem>> -> memref<128x64xf32, #tpu.memory_space<vmem>>
      %dma_wait3A_576 = arith.constant 0 : i32
      %dma_wait3A_577 = arith.constant 0 : i32
      %dma_wait3A_578 = tpu.memref_slice %arg4[%add3A, %dma_wait3A_569, %dma_wait3A_576, %dma_wait3A_577] : memref<32x200x128x64xf32, #tpu.memory_space<hbm>> -> memref<1x1x128x64xf32, #tpu.memory_space<hbm>>
      %dma_wait3A_579 = tpu.memref_squeeze %dma_wait3A_578 : memref<1x1x128x64xf32, #tpu.memory_space<hbm>> -> memref<128x64xf32, #tpu.memory_space<hbm>>
      %dma_wait3A_580 = arith.constant 0 : i32
      %dma_wait3A_581 = arith.constant 0 : i32
      %dma_wait3A_582 = tpu.memref_slice %arg6[%dma_wait3A_570, %dma_wait3A_571, %dma_wait3A_580, %dma_wait3A_581] : memref<2x4x128x64xf32, #tpu.memory_space<vmem>> -> memref<1x1x128x64xf32, #tpu.memory_space<vmem>>
      %dma_wait3A_583 = tpu.memref_squeeze %dma_wait3A_582 : memref<1x1x128x64xf32, #tpu.memory_space<vmem>> -> memref<128x64xf32, #tpu.memory_space<vmem>>
      %dma_wait3A_584 = arith.constant 0 : i32
      %dma_wait3A_585 = arith.constant 0 : i32
      %dma_wait3A_586 = tpu.memref_slice %arg4[%add3A, %dma_wait3A_569, %dma_wait3A_584, %dma_wait3A_585] : memref<32x200x128x64xf32, #tpu.memory_space<hbm>> -> memref<1x1x128x64xf32, #tpu.memory_space<hbm>>
      %dma_wait3A_587 = tpu.memref_squeeze %dma_wait3A_586 : memref<1x1x128x64xf32, #tpu.memory_space<hbm>> -> memref<128x64xf32, #tpu.memory_space<hbm>>
      tpu.wait_dma2 semaphore(%arg8 : memref<!tpu.dma_semaphore, #tpu.memory_space<semaphore_mem>>) src(%dma_wait3A_587 : memref<128x64xf32, #tpu.memory_space<hbm>>) dst(%dma_wait3A_583 : memref<128x64xf32, #tpu.memory_space<vmem>>)
      %dma_wait3A_588 = arith.constant 0 : i32
      %dma_wait3A_589 = arith.constant 0 : i32
      %dma_wait3A_590 = arith.constant 0 : i32
      %dma_wait3A_591 = arith.constant 0 : i32
      %dma_wait3A_592 = arith.constant 0 : i32
      %dma_wait3A_593 = tpu.memref_slice %arg6[%dma_wait3A_589, %dma_wait3A_590, %dma_wait3A_591, %dma_wait3A_592] : memref<2x4x128x64xf32, #tpu.memory_space<vmem>> -> memref<1x1x128x64xf32, #tpu.memory_space<vmem>>
      %dma_wait3A_594 = tpu.memref_squeeze %dma_wait3A_593 : memref<1x1x128x64xf32, #tpu.memory_space<vmem>> -> memref<128x64xf32, #tpu.memory_space<vmem>>
      %dma_wait3A_595 = arith.constant 0 : i32
      %dma_wait3A_596 = arith.constant 0 : i32
      %dma_wait3A_597 = tpu.memref_slice %arg4[%add3A, %dma_wait3A_588, %dma_wait3A_595, %dma_wait3A_596] : memref<32x200x128x64xf32, #tpu.memory_space<hbm>> -> memref<1x1x128x64xf32, #tpu.memory_space<hbm>>
      %dma_wait3A_598 = tpu.memref_squeeze %dma_wait3A_597 : memref<1x1x128x64xf32, #tpu.memory_space<hbm>> -> memref<128x64xf32, #tpu.memory_space<hbm>>
      %dma_wait3A_599 = arith.constant 0 : i32
      %dma_wait3A_600 = arith.constant 0 : i32
      %dma_wait3A_601 = tpu.memref_slice %arg6[%dma_wait3A_589, %dma_wait3A_590, %dma_wait3A_599, %dma_wait3A_600] : memref<2x4x128x64xf32, #tpu.memory_space<vmem>> -> memref<1x1x128x64xf32, #tpu.memory_space<vmem>>
      %dma_wait3A_602 = tpu.memref_squeeze %dma_wait3A_601 : memref<1x1x128x64xf32, #tpu.memory_space<vmem>> -> memref<128x64xf32, #tpu.memory_space<vmem>>
      %dma_wait3A_603 = arith.constant 0 : i32
      %dma_wait3A_604 = arith.constant 0 : i32
      %dma_wait3A_605 = tpu.memref_slice %arg4[%add3A, %dma_wait3A_588, %dma_wait3A_603, %dma_wait3A_604] : memref<32x200x128x64xf32, #tpu.memory_space<hbm>> -> memref<1x1x128x64xf32, #tpu.memory_space<hbm>>
      %dma_wait3A_606 = tpu.memref_squeeze %dma_wait3A_605 : memref<1x1x128x64xf32, #tpu.memory_space<hbm>> -> memref<128x64xf32, #tpu.memory_space<hbm>>
      tpu.wait_dma2 semaphore(%arg8 : memref<!tpu.dma_semaphore, #tpu.memory_space<semaphore_mem>>) src(%dma_wait3A_606 : memref<128x64xf32, #tpu.memory_space<hbm>>) dst(%dma_wait3A_602 : memref<128x64xf32, #tpu.memory_space<vmem>>)
      %add3A_607 = arith.constant 1 : i32
      %add3A_608 = arith.addi %scan3A_132, %add3A_607 : i32
      %lt3A = arith.constant 25 : i32
      %lt3A_609 = arith.cmpi slt, %add3A_608, %lt3A : i32
      %convert_element_type3A_610 = arith.extui %lt3A_609 : i1 to i32
      %cond3A_611 = arith.constant 0 : i32
      %cond3A_612 = arith.cmpi ne, %convert_element_type3A_610, %cond3A_611 : i32
      scf.if %cond3A_612 {
        %add3A_613 = arith.constant 2 : i32
        %add3A_614 = arith.addi %mul3A_134, %add3A_613 : i32
        %mul3A_615 = arith.constant 4 : i32
        %mul3A_616 = arith.muli %add3A_614, %mul3A_615 : i32
        %add3A_617 = arith.constant 0 : i32
        %add3A_618 = arith.addi %mul3A_616, %add3A_617 : i32
        %dma_start3A_619 = arith.constant 0 : i32
        %dma_start3A_620 = arith.constant 0 : i32
        %dma_start3A_621 = arith.constant 0 : i32
        %dma_start3A_622 = arith.constant 0 : i32
        %dma_start3A_623 = tpu.memref_slice %arg6[%dma_start3A_619, %dma_start3A_620, %dma_start3A_621, %dma_start3A_622] : memref<2x4x128x64xf32, #tpu.memory_space<vmem>> -> memref<1x1x128x64xf32, #tpu.memory_space<vmem>>
        %dma_start3A_624 = tpu.memref_squeeze %dma_start3A_623 : memref<1x1x128x64xf32, #tpu.memory_space<vmem>> -> memref<128x64xf32, #tpu.memory_space<vmem>>
        %dma_start3A_625 = arith.constant 0 : i32
        %dma_start3A_626 = tpu.memref_slice %arg5[%add3A_618, %dma_start3A_625] : memref<200x128xi32, #tpu.memory_space<vmem>> -> memref<1x128xi32, #tpu.memory_space<vmem>>
        %dma_start3A_627 = tpu.memref_squeeze %dma_start3A_626 : memref<1x128xi32, #tpu.memory_space<vmem>> -> memref<128xi32, #tpu.memory_space<vmem>>
        %dma_start3A_628 = arith.constant 0 : i32
        %dma_start3A_629 = arith.constant 0 : i32
        %dma_start3A_630 = tpu.memref_slice %arg3[%dma_start3A_628, %dma_start3A_629] : memref<1000000x64xf32, #tpu.memory_space<hbm>> -> memref<1000000x64xf32, #tpu.memory_space<hbm>>
        tpu.enqueue_indirect_dma source(%dma_start3A_630 : memref<1000000x64xf32, #tpu.memory_space<hbm>>) target(%dma_start3A_624 : memref<128x64xf32, #tpu.memory_space<vmem>>) offsets(%dma_start3A_627 : memref<128xi32, #tpu.memory_space<vmem>>) semaphore(%arg7 : memref<!tpu.dma_semaphore, #tpu.memory_space<semaphore_mem>>)
        %mul3A_631 = arith.constant 4 : i32
        %mul3A_632 = arith.muli %add3A_614, %mul3A_631 : i32
        %add3A_633 = arith.constant 1 : i32
        %add3A_634 = arith.addi %mul3A_632, %add3A_633 : i32
        %dma_start3A_635 = arith.constant 0 : i32
        %dma_start3A_636 = arith.constant 1 : i32
        %dma_start3A_637 = arith.constant 0 : i32
        %dma_start3A_638 = arith.constant 0 : i32
        %dma_start3A_639 = tpu.memref_slice %arg6[%dma_start3A_635, %dma_start3A_636, %dma_start3A_637, %dma_start3A_638] : memref<2x4x128x64xf32, #tpu.memory_space<vmem>> -> memref<1x1x128x64xf32, #tpu.memory_space<vmem>>
        %dma_start3A_640 = tpu.memref_squeeze %dma_start3A_639 : memref<1x1x128x64xf32, #tpu.memory_space<vmem>> -> memref<128x64xf32, #tpu.memory_space<vmem>>
        %dma_start3A_641 = arith.constant 0 : i32
        %dma_start3A_642 = tpu.memref_slice %arg5[%add3A_634, %dma_start3A_641] : memref<200x128xi32, #tpu.memory_space<vmem>> -> memref<1x128xi32, #tpu.memory_space<vmem>>
        %dma_start3A_643 = tpu.memref_squeeze %dma_start3A_642 : memref<1x128xi32, #tpu.memory_space<vmem>> -> memref<128xi32, #tpu.memory_space<vmem>>
        %dma_start3A_644 = arith.constant 0 : i32
        %dma_start3A_645 = arith.constant 0 : i32
        %dma_start3A_646 = tpu.memref_slice %arg3[%dma_start3A_644, %dma_start3A_645] : memref<1000000x64xf32, #tpu.memory_space<hbm>> -> memref<1000000x64xf32, #tpu.memory_space<hbm>>
        tpu.enqueue_indirect_dma source(%dma_start3A_646 : memref<1000000x64xf32, #tpu.memory_space<hbm>>) target(%dma_start3A_640 : memref<128x64xf32, #tpu.memory_space<vmem>>) offsets(%dma_start3A_643 : memref<128xi32, #tpu.memory_space<vmem>>) semaphore(%arg7 : memref<!tpu.dma_semaphore, #tpu.memory_space<semaphore_mem>>)
        %mul3A_647 = arith.constant 4 : i32
        %mul3A_648 = arith.muli %add3A_614, %mul3A_647 : i32
        %add3A_649 = arith.constant 2 : i32
        %add3A_650 = arith.addi %mul3A_648, %add3A_649 : i32
        %dma_start3A_651 = arith.constant 0 : i32
        %dma_start3A_652 = arith.constant 2 : i32
        %dma_start3A_653 = arith.constant 0 : i32
        %dma_start3A_654 = arith.constant 0 : i32
        %dma_start3A_655 = tpu.memref_slice %arg6[%dma_start3A_651, %dma_start3A_652, %dma_start3A_653, %dma_start3A_654] : memref<2x4x128x64xf32, #tpu.memory_space<vmem>> -> memref<1x1x128x64xf32, #tpu.memory_space<vmem>>
        %dma_start3A_656 = tpu.memref_squeeze %dma_start3A_655 : memref<1x1x128x64xf32, #tpu.memory_space<vmem>> -> memref<128x64xf32, #tpu.memory_space<vmem>>
        %dma_start3A_657 = arith.constant 0 : i32
        %dma_start3A_658 = tpu.memref_slice %arg5[%add3A_650, %dma_start3A_657] : memref<200x128xi32, #tpu.memory_space<vmem>> -> memref<1x128xi32, #tpu.memory_space<vmem>>
        %dma_start3A_659 = tpu.memref_squeeze %dma_start3A_658 : memref<1x128xi32, #tpu.memory_space<vmem>> -> memref<128xi32, #tpu.memory_space<vmem>>
        %dma_start3A_660 = arith.constant 0 : i32
        %dma_start3A_661 = arith.constant 0 : i32
        %dma_start3A_662 = tpu.memref_slice %arg3[%dma_start3A_660, %dma_start3A_661] : memref<1000000x64xf32, #tpu.memory_space<hbm>> -> memref<1000000x64xf32, #tpu.memory_space<hbm>>
        tpu.enqueue_indirect_dma source(%dma_start3A_662 : memref<1000000x64xf32, #tpu.memory_space<hbm>>) target(%dma_start3A_656 : memref<128x64xf32, #tpu.memory_space<vmem>>) offsets(%dma_start3A_659 : memref<128xi32, #tpu.memory_space<vmem>>) semaphore(%arg7 : memref<!tpu.dma_semaphore, #tpu.memory_space<semaphore_mem>>)
        %mul3A_663 = arith.constant 4 : i32
        %mul3A_664 = arith.muli %add3A_614, %mul3A_663 : i32
        %add3A_665 = arith.constant 3 : i32
        %add3A_666 = arith.addi %mul3A_664, %add3A_665 : i32
        %dma_start3A_667 = arith.constant 0 : i32
        %dma_start3A_668 = arith.constant 3 : i32
        %dma_start3A_669 = arith.constant 0 : i32
        %dma_start3A_670 = arith.constant 0 : i32
        %dma_start3A_671 = tpu.memref_slice %arg6[%dma_start3A_667, %dma_start3A_668, %dma_start3A_669, %dma_start3A_670] : memref<2x4x128x64xf32, #tpu.memory_space<vmem>> -> memref<1x1x128x64xf32, #tpu.memory_space<vmem>>
        %dma_start3A_672 = tpu.memref_squeeze %dma_start3A_671 : memref<1x1x128x64xf32, #tpu.memory_space<vmem>> -> memref<128x64xf32, #tpu.memory_space<vmem>>
        %dma_start3A_673 = arith.constant 0 : i32
        %dma_start3A_674 = tpu.memref_slice %arg5[%add3A_666, %dma_start3A_673] : memref<200x128xi32, #tpu.memory_space<vmem>> -> memref<1x128xi32, #tpu.memory_space<vmem>>
        %dma_start3A_675 = tpu.memref_squeeze %dma_start3A_674 : memref<1x128xi32, #tpu.memory_space<vmem>> -> memref<128xi32, #tpu.memory_space<vmem>>
        %dma_start3A_676 = arith.constant 0 : i32
        %dma_start3A_677 = arith.constant 0 : i32
        %dma_start3A_678 = tpu.memref_slice %arg3[%dma_start3A_676, %dma_start3A_677] : memref<1000000x64xf32, #tpu.memory_space<hbm>> -> memref<1000000x64xf32, #tpu.memory_space<hbm>>
        tpu.enqueue_indirect_dma source(%dma_start3A_678 : memref<1000000x64xf32, #tpu.memory_space<hbm>>) target(%dma_start3A_672 : memref<128x64xf32, #tpu.memory_space<vmem>>) offsets(%dma_start3A_675 : memref<128xi32, #tpu.memory_space<vmem>>) semaphore(%arg7 : memref<!tpu.dma_semaphore, #tpu.memory_space<semaphore_mem>>)
      } else {
      }
    }
    %scan3A_56 = arith.constant 25 : i32
    %dma_wait3A = arith.constant 0 : i32
    %dma_wait3A_57 = arith.constant 0 : i32
    %dma_wait3A_58 = arith.constant 0 : i32
    %dma_wait3A_59 = arith.constant 0 : i32
    %dma_wait3A_60 = arith.constant 0 : i32
    %dma_wait3A_61 = tpu.memref_slice %arg6[%dma_wait3A_57, %dma_wait3A_58, %dma_wait3A_59, %dma_wait3A_60] : memref<2x4x128x64xf32, #tpu.memory_space<vmem>> -> memref<1x1x128x64xf32, #tpu.memory_space<vmem>>
    %dma_wait3A_62 = tpu.memref_squeeze %dma_wait3A_61 : memref<1x1x128x64xf32, #tpu.memory_space<vmem>> -> memref<128x64xf32, #tpu.memory_space<vmem>>
    %dma_wait3A_63 = arith.constant 0 : i32
    %dma_wait3A_64 = arith.constant 0 : i32
    %dma_wait3A_65 = tpu.memref_slice %arg4[%add3A, %dma_wait3A, %dma_wait3A_63, %dma_wait3A_64] : memref<32x200x128x64xf32, #tpu.memory_space<hbm>> -> memref<1x1x128x64xf32, #tpu.memory_space<hbm>>
    %dma_wait3A_66 = tpu.memref_squeeze %dma_wait3A_65 : memref<1x1x128x64xf32, #tpu.memory_space<hbm>> -> memref<128x64xf32, #tpu.memory_space<hbm>>
    %dma_wait3A_67 = arith.constant 0 : i32
    %dma_wait3A_68 = arith.constant 0 : i32
    %dma_wait3A_69 = tpu.memref_slice %arg6[%dma_wait3A_57, %dma_wait3A_58, %dma_wait3A_67, %dma_wait3A_68] : memref<2x4x128x64xf32, #tpu.memory_space<vmem>> -> memref<1x1x128x64xf32, #tpu.memory_space<vmem>>
    %dma_wait3A_70 = tpu.memref_squeeze %dma_wait3A_69 : memref<1x1x128x64xf32, #tpu.memory_space<vmem>> -> memref<128x64xf32, #tpu.memory_space<vmem>>
    %dma_wait3A_71 = arith.constant 0 : i32
    %dma_wait3A_72 = arith.constant 0 : i32
    %dma_wait3A_73 = tpu.memref_slice %arg4[%add3A, %dma_wait3A, %dma_wait3A_71, %dma_wait3A_72] : memref<32x200x128x64xf32, #tpu.memory_space<hbm>> -> memref<1x1x128x64xf32, #tpu.memory_space<hbm>>
    %dma_wait3A_74 = tpu.memref_squeeze %dma_wait3A_73 : memref<1x1x128x64xf32, #tpu.memory_space<hbm>> -> memref<128x64xf32, #tpu.memory_space<hbm>>
    tpu.wait_dma2 semaphore(%arg8 : memref<!tpu.dma_semaphore, #tpu.memory_space<semaphore_mem>>) src(%dma_wait3A_74 : memref<128x64xf32, #tpu.memory_space<hbm>>) dst(%dma_wait3A_70 : memref<128x64xf32, #tpu.memory_space<vmem>>)
    %dma_wait3A_75 = arith.constant 0 : i32
    %dma_wait3A_76 = arith.constant 0 : i32
    %dma_wait3A_77 = arith.constant 0 : i32
    %dma_wait3A_78 = arith.constant 0 : i32
    %dma_wait3A_79 = arith.constant 0 : i32
    %dma_wait3A_80 = tpu.memref_slice %arg6[%dma_wait3A_76, %dma_wait3A_77, %dma_wait3A_78, %dma_wait3A_79] : memref<2x4x128x64xf32, #tpu.memory_space<vmem>> -> memref<1x1x128x64xf32, #tpu.memory_space<vmem>>
    %dma_wait3A_81 = tpu.memref_squeeze %dma_wait3A_80 : memref<1x1x128x64xf32, #tpu.memory_space<vmem>> -> memref<128x64xf32, #tpu.memory_space<vmem>>
    %dma_wait3A_82 = arith.constant 0 : i32
    %dma_wait3A_83 = arith.constant 0 : i32
    %dma_wait3A_84 = tpu.memref_slice %arg4[%add3A, %dma_wait3A_75, %dma_wait3A_82, %dma_wait3A_83] : memref<32x200x128x64xf32, #tpu.memory_space<hbm>> -> memref<1x1x128x64xf32, #tpu.memory_space<hbm>>
    %dma_wait3A_85 = tpu.memref_squeeze %dma_wait3A_84 : memref<1x1x128x64xf32, #tpu.memory_space<hbm>> -> memref<128x64xf32, #tpu.memory_space<hbm>>
    %dma_wait3A_86 = arith.constant 0 : i32
    %dma_wait3A_87 = arith.constant 0 : i32
    %dma_wait3A_88 = tpu.memref_slice %arg6[%dma_wait3A_76, %dma_wait3A_77, %dma_wait3A_86, %dma_wait3A_87] : memref<2x4x128x64xf32, #tpu.memory_space<vmem>> -> memref<1x1x128x64xf32, #tpu.memory_space<vmem>>
    %dma_wait3A_89 = tpu.memref_squeeze %dma_wait3A_88 : memref<1x1x128x64xf32, #tpu.memory_space<vmem>> -> memref<128x64xf32, #tpu.memory_space<vmem>>
    %dma_wait3A_90 = arith.constant 0 : i32
    %dma_wait3A_91 = arith.constant 0 : i32
    %dma_wait3A_92 = tpu.memref_slice %arg4[%add3A, %dma_wait3A_75, %dma_wait3A_90, %dma_wait3A_91] : memref<32x200x128x64xf32, #tpu.memory_space<hbm>> -> memref<1x1x128x64xf32, #tpu.memory_space<hbm>>
    %dma_wait3A_93 = tpu.memref_squeeze %dma_wait3A_92 : memref<1x1x128x64xf32, #tpu.memory_space<hbm>> -> memref<128x64xf32, #tpu.memory_space<hbm>>
    tpu.wait_dma2 semaphore(%arg8 : memref<!tpu.dma_semaphore, #tpu.memory_space<semaphore_mem>>) src(%dma_wait3A_93 : memref<128x64xf32, #tpu.memory_space<hbm>>) dst(%dma_wait3A_89 : memref<128x64xf32, #tpu.memory_space<vmem>>)
    %dma_wait3A_94 = arith.constant 0 : i32
    %dma_wait3A_95 = arith.constant 0 : i32
    %dma_wait3A_96 = arith.constant 0 : i32
    %dma_wait3A_97 = arith.constant 0 : i32
    %dma_wait3A_98 = arith.constant 0 : i32
    %dma_wait3A_99 = tpu.memref_slice %arg6[%dma_wait3A_95, %dma_wait3A_96, %dma_wait3A_97, %dma_wait3A_98] : memref<2x4x128x64xf32, #tpu.memory_space<vmem>> -> memref<1x1x128x64xf32, #tpu.memory_space<vmem>>
    %dma_wait3A_100 = tpu.memref_squeeze %dma_wait3A_99 : memref<1x1x128x64xf32, #tpu.memory_space<vmem>> -> memref<128x64xf32, #tpu.memory_space<vmem>>
    %dma_wait3A_101 = arith.constant 0 : i32
    %dma_wait3A_102 = arith.constant 0 : i32
    %dma_wait3A_103 = tpu.memref_slice %arg4[%add3A, %dma_wait3A_94, %dma_wait3A_101, %dma_wait3A_102] : memref<32x200x128x64xf32, #tpu.memory_space<hbm>> -> memref<1x1x128x64xf32, #tpu.memory_space<hbm>>
    %dma_wait3A_104 = tpu.memref_squeeze %dma_wait3A_103 : memref<1x1x128x64xf32, #tpu.memory_space<hbm>> -> memref<128x64xf32, #tpu.memory_space<hbm>>
    %dma_wait3A_105 = arith.constant 0 : i32
    %dma_wait3A_106 = arith.constant 0 : i32
    %dma_wait3A_107 = tpu.memref_slice %arg6[%dma_wait3A_95, %dma_wait3A_96, %dma_wait3A_105, %dma_wait3A_106] : memref<2x4x128x64xf32, #tpu.memory_space<vmem>> -> memref<1x1x128x64xf32, #tpu.memory_space<vmem>>
    %dma_wait3A_108 = tpu.memref_squeeze %dma_wait3A_107 : memref<1x1x128x64xf32, #tpu.memory_space<vmem>> -> memref<128x64xf32, #tpu.memory_space<vmem>>
    %dma_wait3A_109 = arith.constant 0 : i32
    %dma_wait3A_110 = arith.constant 0 : i32
    %dma_wait3A_111 = tpu.memref_slice %arg4[%add3A, %dma_wait3A_94, %dma_wait3A_109, %dma_wait3A_110] : memref<32x200x128x64xf32, #tpu.memory_space<hbm>> -> memref<1x1x128x64xf32, #tpu.memory_space<hbm>>
    %dma_wait3A_112 = tpu.memref_squeeze %dma_wait3A_111 : memref<1x1x128x64xf32, #tpu.memory_space<hbm>> -> memref<128x64xf32, #tpu.memory_space<hbm>>
    tpu.wait_dma2 semaphore(%arg8 : memref<!tpu.dma_semaphore, #tpu.memory_space<semaphore_mem>>) src(%dma_wait3A_112 : memref<128x64xf32, #tpu.memory_space<hbm>>) dst(%dma_wait3A_108 : memref<128x64xf32, #tpu.memory_space<vmem>>)
    %dma_wait3A_113 = arith.constant 0 : i32
    %dma_wait3A_114 = arith.constant 0 : i32
    %dma_wait3A_115 = arith.constant 0 : i32
    %dma_wait3A_116 = arith.constant 0 : i32
    %dma_wait3A_117 = arith.constant 0 : i32
    %dma_wait3A_118 = tpu.memref_slice %arg6[%dma_wait3A_114, %dma_wait3A_115, %dma_wait3A_116, %dma_wait3A_117] : memref<2x4x128x64xf32, #tpu.memory_space<vmem>> -> memref<1x1x128x64xf32, #tpu.memory_space<vmem>>
    %dma_wait3A_119 = tpu.memref_squeeze %dma_wait3A_118 : memref<1x1x128x64xf32, #tpu.memory_space<vmem>> -> memref<128x64xf32, #tpu.memory_space<vmem>>
    %dma_wait3A_120 = arith.constant 0 : i32
    %dma_wait3A_121 = arith.constant 0 : i32
    %dma_wait3A_122 = tpu.memref_slice %arg4[%add3A, %dma_wait3A_113, %dma_wait3A_120, %dma_wait3A_121] : memref<32x200x128x64xf32, #tpu.memory_space<hbm>> -> memref<1x1x128x64xf32, #tpu.memory_space<hbm>>
    %dma_wait3A_123 = tpu.memref_squeeze %dma_wait3A_122 : memref<1x1x128x64xf32, #tpu.memory_space<hbm>> -> memref<128x64xf32, #tpu.memory_space<hbm>>
    %dma_wait3A_124 = arith.constant 0 : i32
    %dma_wait3A_125 = arith.constant 0 : i32
    %dma_wait3A_126 = tpu.memref_slice %arg6[%dma_wait3A_114, %dma_wait3A_115, %dma_wait3A_124, %dma_wait3A_125] : memref<2x4x128x64xf32, #tpu.memory_space<vmem>> -> memref<1x1x128x64xf32, #tpu.memory_space<vmem>>
    %dma_wait3A_127 = tpu.memref_squeeze %dma_wait3A_126 : memref<1x1x128x64xf32, #tpu.memory_space<vmem>> -> memref<128x64xf32, #tpu.memory_space<vmem>>
    %dma_wait3A_128 = arith.constant 0 : i32
    %dma_wait3A_129 = arith.constant 0 : i32
    %dma_wait3A_130 = tpu.memref_slice %arg4[%add3A, %dma_wait3A_113, %dma_wait3A_128, %dma_wait3A_129] : memref<32x200x128x64xf32, #tpu.memory_space<hbm>> -> memref<1x1x128x64xf32, #tpu.memory_space<hbm>>
    %dma_wait3A_131 = tpu.memref_squeeze %dma_wait3A_130 : memref<1x1x128x64xf32, #tpu.memory_space<hbm>> -> memref<128x64xf32, #tpu.memory_space<hbm>>
    tpu.wait_dma2 semaphore(%arg8 : memref<!tpu.dma_semaphore, #tpu.memory_space<semaphore_mem>>) src(%dma_wait3A_131 : memref<128x64xf32, #tpu.memory_space<hbm>>) dst(%dma_wait3A_127 : memref<128x64xf32, #tpu.memory_space<vmem>>)
    return
  }
}

</mosaic_0001>

<sc_bundles>
// kernel: kernel.3.cloned.1.call-start
scs
__scs_entry_jumppad:
0x0: {  	(pc) =	sbr.rel $0x88, $3  }
0x1: {  	(tag) =	ssettag $0x0;
	lr =	simm.s32 $0x1  }
0x2: {  	[smem:$0x3F9F] =	sst lr;
	_ =	strace $0xD0000000  }
0x3: {  	_ = 	snop  }
0x4: {  	_ = 	snop  }
0x5: {  	_ = 	snop  }
0x6: {  	_ = 	snop  }
0x7: {  	_ = 	snop  }
__scs_overlays_trampoline_lowered:
0x8: {  	[smem:$0x3FAE] =	sst s0  }
0x9: {  	[smem:$0x3FAF] =	sst s1  }
0xa: {  	[smem:$0x3FB0] =	sst s2  }
0xb: {  	[smem:$0x3FB1] =	sst s3  }
0xc: {  	[smem:$0x3FB2] =	sst s4  }
0xd: {  	[smem:$0x3FB3] =	sst s5  }
0xe: {  	[smem:$0x3FB4] =	sst s6  }
0xf: {  	[smem:$0x3FB5] =	sst s7  }
0x10: {  	[smem:$0x3FB6] =	sst s8  }
0x11: {  	[smem:$0x3FB7] =	sst s9;
	s0 =	simm.s32 @!p0 $0x0  }
0x12: {  	s1 =	sld [smem:$0x3F9D];
	s0 =	simm.s32 @p0 $0x1  }
0x13: {  	[smem:$0x3FB8] =	sst s0;
	s0 =	simm.s32 @!p1 $0x0  }
0x14: {  	s2 =	sld [smem:$0x3F9C];
	s0 =	simm.s32 @p1 $0x1  }
0x15: {  	[smem:$0x3FB9] =	sst s0;
	s0 =	simm.s32 @!p2 $0x0  }
0x16: {  	s3 =	sld [smem:$0x3FDB];
	s0 =	simm.s32 @p2 $0x1  }
0x17: {  	s4 =	simm.s32 $0x1BF5;
	[smem:$0x3FBB] =	sst s0  }
0x18: {  	s0 =	sld [smem:$0x3F9E];
	_ =	swait.ge [sflag:s4], $0x0  }
0x19: {  	s7 =	sld [smem:$0x3F9F]  }
0x1a: {  	s8 =	sadd.s32 $0xFFFFE003, lr  }
0x1b: {  	s9 =	sadd.s32 $0xFFFFFEF7, lr;
	s5 =	simm.s32 $0xFFFFFFFF;
	p2 =	slt.u32 s8, $0xFFFFF086  }
0x1c: {  	p1 =	slt.u32 s9, $0xF7A;
	s5 =	simm.s32 @!p2 $0x0  }
0x1d: {  	s5 =	simm.s32 @p1 $0x1;
	p0 =	seq.s32 s7, s2  }
0x1e: {  	s7 =	smul.u32 @!p0 $0xF7A, s2;
	p2 =	seq.s32 @!p0 s5, $0x0  }
0x1f: {  	s9 =	smul.u32 $0xF7A, s1;
	s8 =	simm.s32 @!p0 $0x1BF5;
	p2 =	por !p2, p0  }
0x20: {  	[sflag:s8] =	ssyncset.s32 @!p0 $0xFFFFF086;
	s6 =	sadd.s32 @!p0 s3, s7;
	s7 =	simm.s32 @!p0 $0x108  }
0x21: {  	s3 =	sadd.s32 s3, s9;
	s6 =	sadd.s32 @!p0 $0x88, s6;
	s7 =	simm.s32 @p2 $0x1082  }
0x22: {  	[simem:s7], [sflag:s8] =	dma.local @!p0 [hbm:s6], $0xF7A  }
0x23: {  	s9 =	sor.u32 $0xD0000000, s2;
	s6 =	simm.s32 $0x108;
	_ =	swait.ge @!p0 [sflag:s8], $0x0  }
0x24: {  	s3 =	sadd.s32 $0x88, s3;
	s6 =	simm.s32 @!p1 $0x1082;
	[sflag:s4] =	ssyncset.s32 $0xFFFFF086  }
0x25: {  	[simem:s6], [sflag:s4] =	dma.local [hbm:s3], $0xF7A  }
0x26: {  	[smem:$0x3F9F] =	sst s1;
	(tag) =	ssettag s2;
	_ =	strace s9  }
0x27: {  	s1 =	sld [smem:$0x3FAF]  }
0x28: {  	s2 =	sld [smem:$0x3FB0]  }
0x29: {  	s4 =	sld [smem:$0x3FB2]  }
0x2a: {  	p0 =	seq.s32 s5, $0x0;
	s5 =	sld [smem:$0x3FB3]  }
0x2b: {  	s6 =	sld [smem:$0x3FB4]  }
0x2c: {  	s7 =	sld [smem:$0x3FB5]  }
0x2d: {  	s3 =	simm.s32 $0x108;
	s8 =	sld [smem:$0x3FB6]  }
0x2e: {  	s3 =	simm.s32 @!p0 $0x1082;
	s9 =	sld [smem:$0x3FB7]  }
0x2f: {  	lr =	sadd.s32 s0, s3;
	s0 =	sld [smem:$0x3FAE]  }
0x30: {  	s3 =	sld [smem:$0x3FB1]  }
0x31: {  	[smem:$0x3FBA] =	sst s10  }
0x32: {  	s10 =	sld [smem:$0x3FB8];
	_ =	sdelay $0x3  }
0x33: {  	p0 =	seq.s32 s10, $0x1;
	s10 =	sld [smem:$0x3FBA];
	_ =	sdelay $0x3  }
0x34: {  	[smem:$0x3FBA] =	sst s10  }
0x35: {  	s10 =	sld [smem:$0x3FB9];
	_ =	sdelay $0x3  }
0x36: {  	p1 =	seq.s32 s10, $0x1;
	s10 =	sld [smem:$0x3FBA];
	_ =	sdelay $0x3  }
0x37: {  	[smem:$0x3FBA] =	sst s10  }
0x38: {  	s10 =	sld [smem:$0x3FBB]  }
0x39: {  	_ = 	snop;
	(pc) =	sbr.ind lr, $3  }
0x3a: {  	_ = 	snop  }
0x3b: {  	_ = 	snop  }
0x3c: {  	p2 =	seq.s32 s10, $0x1;
	s10 =	sld [smem:$0x3FBA]  }
0x3d: {  	_ =	shalt  }
0x3e: {  	_ =	shalt  }
0x3f: {  	_ =	shalt  }
0x40: {  	_ =	shalt  }
0x41: {  	_ =	shalt  }
0x42: {  	_ =	shalt  }
0x43: {  	_ =	shalt  }
0x44: {  	_ =	shalt  }
0x45: {  	_ =	shalt  }
0x46: {  	_ =	shalt  }
0x47: {  	_ =	shalt  }
0x48: {  	_ =	shalt  }
0x49: {  	_ =	shalt  }
0x4a: {  	_ =	shalt  }
0x4b: {  	_ =	shalt  }
0x4c: {  	_ =	shalt  }
0x4d: {  	_ =	shalt  }
0x4e: {  	_ =	shalt  }
0x4f: {  	_ =	shalt  }
0x50: {  	_ =	shalt  }
0x51: {  	_ =	shalt  }
0x52: {  	_ =	shalt  }
0x53: {  	_ =	shalt  }
0x54: {  	_ =	shalt  }
0x55: {  	_ =	shalt  }
0x56: {  	_ =	shalt  }
0x57: {  	_ =	shalt  }
0x58: {  	_ =	shalt  }
0x59: {  	_ =	shalt  }
0x5a: {  	_ =	shalt  }
0x5b: {  	_ =	shalt  }
0x5c: {  	_ =	shalt  }
0x5d: {  	_ =	shalt  }
0x5e: {  	_ =	shalt  }
0x5f: {  	_ =	shalt  }
0x60: {  	_ =	shalt  }
0x61: {  	_ =	shalt  }
0x62: {  	_ =	shalt  }
0x63: {  	_ =	shalt  }
0x64: {  	_ =	shalt  }
0x65: {  	_ =	shalt  }
0x66: {  	_ =	shalt  }
0x67: {  	_ =	shalt  }
0x68: {  	_ =	shalt  }
0x69: {  	_ =	shalt  }
0x6a: {  	_ =	shalt  }
0x6b: {  	_ =	shalt  }
0x6c: {  	_ =	shalt  }
0x6d: {  	_ =	shalt  }
0x6e: {  	_ =	shalt  }
0x6f: {  	_ =	shalt  }
0x70: {  	_ =	shalt  }
0x71: {  	_ =	shalt  }
0x72: {  	_ =	shalt  }
0x73: {  	_ =	shalt  }
0x74: {  	_ =	shalt  }
0x75: {  	_ =	shalt  }
0x76: {  	_ =	shalt  }
0x77: {  	_ =	shalt  }
0x78: {  	_ =	shalt  }
0x79: {  	_ =	shalt  }
0x7a: {  	_ =	shalt  }
0x7b: {  	_ =	shalt  }
0x7c: {  	_ =	shalt  }
0x7d: {  	_ =	shalt  }
0x7e: {  	_ =	shalt  }
0x7f: {  	_ =	shalt  }
0x80: {  	_ =	shalt  }
0x81: {  	_ =	shalt  }
0x82: {  	_ =	shalt  }
0x83: {  	_ =	shalt  }
0x84: {  	_ =	shalt  }
0x85: {  	_ =	shalt  }
0x86: {  	_ =	shalt  }
0x87: {  	_ =	shalt  }
.Lfunc_end0:
.L_simem_size_0:
called_computation.1_lowered:
.L_overlay_start_0:
0x88: {  	s2 =	sld [smem:$0x3FD9]  }
0x89: {  	s3 =	sld [smem:$0x3FFE];
	_ =	sdelay $0x1  }
0x8a: {  	s1 =	srdreg.scid  }
0x8b: {  	s0 =	sand.u32 $0x1, s1  }
0x8c: {  	s17 =	sshll.u32 s0, $0xA;
	s2 =	sadd.s32 s3, s2  }
0x8d: {  	s2 =	sadd.s32 s2, s17  }
0x8e: {  	[smem:$0x3FC6] =	sst s2  }
0x8f: {  	_ = 	snop  }
0x90: {  	s2 =	sld [smem:$0x3FD0];
	(tm) =	ssettm $0x1  }
0x91: {  	s18 =	sld [smem:$0x3FFB];
	_ =	sdelay $0x3  }
0x92: {  	_ =	strace s18  }
0x93: {  	s3 =	sld [smem:$0x3FFC];
	_ =	sdelay $0x3  }
0x94: {  	_ =	strace s3  }
0x95: {  	s3 =	sld [smem:$0x3FFD];
	_ =	sdelay $0x3  }
0x96: {  	_ =	strace s3  }
0x97: {  	_ =	strace $0x8FFFFFFF  }
0x98: {  	s19 =	sld [smem:$0x3FDB];
	_ =	sdelay $0x1  }
0x99: {  	s4 =	simm.s32 $_scs_section_size  }
0x9a: {  	s5 =	simm.s32 $_size__tile_overlayer_lowered;
	s6 =	simm.s32 $_tile_overlayer_lowered  }
0x9b: {  	s22 =	simm.s32 $0x1BFF;
	s21 =	sshll.u32 s6, $0x1;
	s3 =	sadd.s32 s4, s19  }
0x9c: {  	s7 =	simm.s32 $0x0;
	s20 =	sshll.u32 s5, $0x1;
	s5 =	sadd.s32 s21, s3  }
0x9d: {  	[timem:s7], [sflag:s22] =	dma.local [hbm:s5], s20  }
0x9e: {  	_ =	swait.ge [sflag:s22], s20  }
0x9f: {  	s4 =	ssub.s32 $0x0, s20;
	[sflag:s22] =	ssyncset.done $0x0  }
0xa0: {  	[sflag:s22] =	ssyncadd.s32 s4;
	_ =	sdelay $0x1  }
0xa1: {  	s23 =	simm.s32 $0x1B8B  }
0xa2: {  	_ =	swait.ge [sflag:s23], $0x1  }
0xa3: {  	[sflag:s23] =	ssyncset.done $0x0  }
0xa4: {  	s25 =	simm.s32 $0x1B8E;
	s24 =	sld [smem:$0x3FFE];
	[sflag:s23] =	ssyncadd.s32 $0xFFFFFFFF  }
0xa5: {  	s26 =	simm.s32 $execute0_lowered;
	[smem:$0x3FD2] =	sst s25  }
0xa6: {  	s5 =	sshll.u32 s26, $0x1;
	_ =	strace $0x80000046;
	[dreg:$0x1] =	wrdreg $0xFFFFFFFF  }
0xa7: {  	s28 =	simm.s32 $_size_execute0_lowered;
	s3 =	sadd.s32 s3, s5;
	[dreg:$0x0] =	wrdreg $0x0  }
0xa8: {  	s5 =	sshll.u32 s28, $0x1;
	[dreg:$0x2] =	wrdreg s3  }
0xa9: {  	[dreg:$0x3] =	wrdreg s5  }
0xaa: {  	[dreg:$0x4] =	wrdreg $0xC0  }
0xab: {  	_ =	task [dreg:s7], $0x5FFFF  }
0xac: {  	[dreg:$0x1] =	wrdreg $0xFFFFFFFF  }
0xad: {  	[dreg:$0x0] =	wrdreg $0x60  }
0xae: {  	[dreg:$0x2] =	wrdreg s24  }
0xaf: {  	[dreg:$0x3] =	wrdreg s2  }
0xb0: {  	[dreg:$0x4] =	wrdreg $0x9  }
0xb1: {  	_ =	task.clear_ibuf [dreg:s7], $0x5FFFF;
	_ =	strace $0x90000046  }
0xb2: {  	s29 =	simm.s32 $0x9;
	_ =	strace $0x80000048  }
0xb3: {  	_ =	swait.ge [sflag:s29], $0x1  }
0xb4: {  	[sflag:s29] =	ssyncadd.s32 $0xFFFFFFFF  }
0xb5: {  	_ =	strace $0x90000048  }
0xb6: {  	_ =	sfence  }
0xb7: {  	s30 =	sld [smem:$0x0];
	_ =	sdelay $0x2  }
0xb8: {  	s31 =	sshll.u32 s1, $0xD;
	s1 =	sshrl.u32 s1, $0x2  }
0xb9: {  	s3 =	sand.u32 $0x4000, s31;
	s1 =	sadd.s32 s1, s30  }
0xba: {  	s0 =	sor.u32 s3, s0;
	s1 =	sshll.u32 s1, $0x11  }
0xbb: {  	s0 =	sor.u32 s1, s0  }
0xbc: {  	s0 =	sadd.s32 $0x8F2B, s0  }
0xbd: {  	[sflag:s0] =	ssyncadd.remote.s32 $0x1  }
0xbe: {  	_ =	sfence.sel $0xFFFF  }
0xbf: {  	[dreg:$0x0] =	wrdreg $0xFFFFFFFF;
	(pc) =	sbr.abs _section_cstart, $3  }
0xc0: {  	[dreg:$0x1] =	wrdreg $0xFFFFFFFF  }
0xc1: {  	_ =	task.clear_ibuf [dreg:s7], $0x2FFFF;
	_ =	strace $0x9FFFFFFF  }
0xc2: {  	(tm) =	ssettm $0x7FFFFFFF  }
0xc3: {  	_ =	shalt  }
tec
execute0_lowered:
.L_overlay_start_1:
0x0: {  	(tag) =	ssettag $0x1  }
0x1: {  	s1 =	srdreg.scid  }
0x2: {  	s0 =	stileid.u32;
	s4 =	rddreg [dreg:$0x0]  }
0x3: {  	s15 =	simm.s32 $0x3;
	s16 =	simm.s32 $0x80;
	s17 =	simm.s32 $0x6400  }
0x4: {  	s18 =	simm.s32 $0x8400;
	s20 =	simm.s32 $0xA400;
	s22 =	simm.s32 $0xC400  }
0x5: {  	s23 =	simm.s32 $0xE400;
	s24 =	simm.s32 $0x10400;
	s28 =	simm.s32 $0x1  }
0x6: {  	s1 =	sand.u32 $0x1, s1;
	s2 =	sshll.u32 s0, $0x1;
	s6 =	smul.u32 $0x320000, s0  }
0x7: {  	s29 =	simm.s32 $0x2;
	s3 =	sor.u32 s1, s2;
	s7 =	smul.u32 $0x190000, s1  }
0x8: {  	s1 =	ssub.s32 $0x2, s1;
	s5 =	smul.u32 $0xC80, s3;
	s3 =	simm.s32 $0x0  }
0x9: {  	s30 =	simm.s32 $0x0;
	s8 =	sshrl.u32 s1, $0x1;
	[smem:$0x7FF] =	sst s3  }
0xa: {  	s12 =	sadd.s32 s7, s6;
	s1 =	ssub.s32 s1, s8;
	_ =	strace $0x80000047  }
0xb: {  	s5 =	sadd.s32 s5, s4;
	s4 =	sadd.s32 $0xF42E00, s4;
	s7 =	sor.u32 $0x6000, s12  }
0xc: {  	s6 =	smax.u32 s1, $0x1;
	s25 =	sor.u32 $0x4000, s12;
	s26 =	sor.u32 $0x2000, s12  }
0xd: {  	s11 =	sor.u32 $0xE000, s12;
	s10 =	sshrl.u32 s12, $0x3;
	s31 =	sor.u32 $0xC000, s12  }
0xe: {  	s13 =	sor.u32 $0xA000, s12;
	s14 =	sor.u32 $0x8000, s12;
	s5 =	sadd.s32 $0xA00, s5  }
0xf: {  	s7 =	sshrl.u32 s7, $0x3;
	s8 =	sshrl.u32 s25, $0x3;
	s9 =	sshrl.u32 s26, $0x3  }
0x10: {  	s11 =	sshrl.u32 s11, $0x3;
	s12 =	sshrl.u32 s31, $0x3;
	s13 =	sshrl.u32 s13, $0x3  }
0x11: {  	s14 =	sshrl.u32 s14, $0x3;
	s25 =	simm.s32 $0x12400;
	s26 =	simm.s32 $0x14400  }
.LBB2_1:
0x12: {  	[tilespmem:s3], [sflag:$0x3] =	stream.linear.gather [hbm4b:s5+s3], $0x6400, $0x38;
	[tilespmem:$0x16400] =	vst v63  }
0x13: {  	_ =	swait.ge [sflag:s15], $0x6400  }
0x14: {  	[sflag:s15] =	ssyncset.done $0x0  }
0x15: {  	[sflag:s15] =	ssyncadd.s32 $0xFFFF9C00  }
0x16: {  	[tilespmem:s17], [sflag:$0x1] =	stream.indirect.gather [hbm4b:s4+s16], $0x40, s3, s16, $0xb8;
	[tilespmem:$0x16400] =	vst v63  }
0x17: {  	_ = 	snop  }
0x18: {  	[tilespmem:s18], [sflag:$0x1] =	stream.indirect.gather [hbm4b:s4+s16], $0x40, s16, s16, $0xb8;
	[tilespmem:$0x16400] =	vst v63  }
0x19: {  	s0 =	simm.s32 $0x100  }
0x1a: {  	[tilespmem:s20], [sflag:$0x1] =	stream.indirect.gather [hbm4b:s4+s16], $0x40, s0, s16, $0xb8;
	[tilespmem:$0x16400] =	vst v63  }
0x1b: {  	s21 =	simm.s32 $0x180;
	s1 =	simm.s32 $0x0;
	s31 =	rddreg [dreg:$0x1]  }
0x1c: {  	[tilespmem:s22], [sflag:$0x1] =	stream.indirect.gather [hbm4b:s4+s16], $0x40, s21, s16, $0xb8;
	[tilespmem:$0x16400] =	vst v63  }
.LBB2_2:
0x1d: {  	p0 =	seq.s32 s1, $0x0  }
0x1e: {  	s0 =	simm.s32 @!p0 $0x2  }
0x1f: {  	_ =	swait.ge @!p0 [sflag:s0], $0x2000  }
0x20: {  	[sflag:s0] =	ssyncset.done @!p0 $0x0  }
0x21: {  	[sflag:s0] =	ssyncadd.s32 @!p0 $0xFFFFE000  }
0x22: {  	_ =	swait.ge @!p0 [sflag:s0], $0x2000  }
0x23: {  	[sflag:s0] =	ssyncset.done @!p0 $0x0  }
0x24: {  	[sflag:s0] =	ssyncadd.s32 @!p0 $0xFFFFE000  }
0x25: {  	_ =	swait.ge @!p0 [sflag:s0], $0x2000  }
0x26: {  	[sflag:s0] =	ssyncset.done @!p0 $0x0  }
0x27: {  	[sflag:s0] =	ssyncadd.s32 @!p0 $0xFFFFE000  }
0x28: {  	_ =	swait.ge @!p0 [sflag:s0], $0x2000  }
0x29: {  	s2 =	sshra.s32 s1, $0x2;
	[sflag:s0] =	ssyncset.done @!p0 $0x0  }
0x2a: {  	s21 =	sadd.s32 $0x200, s2;
	[sflag:s0] =	ssyncadd.s32 @!p0 $0xFFFFE000  }
0x2b: {  	[tilespmem:s23], [sflag:$0x1] =	stream.indirect.gather [hbm4b:s4+s16], $0x40, s21, s16, $0xb8;
	[tilespmem:$0x16400] =	vst v63  }
0x2c: {  	s19 =	sadd.s32 $0x280, s2  }
0x2d: {  	[tilespmem:s24], [sflag:$0x1] =	stream.indirect.gather [hbm4b:s4+s16], $0x40, s19, s16, $0xb8;
	[tilespmem:$0x16400] =	vst v63  }
0x2e: {  	s21 =	sadd.s32 $0x300, s2  }
0x2f: {  	[tilespmem:s25], [sflag:$0x1] =	stream.indirect.gather [hbm4b:s4+s16], $0x40, s21, s16, $0xb8;
	[tilespmem:$0x16400] =	vst v63  }
0x30: {  	s2 =	sadd.s32 $0x380, s2  }
0x31: {  	[tilespmem:s26], [sflag:$0x1] =	stream.indirect.gather [hbm4b:s4+s16], $0x40, s2, s16, $0xb8;
	[tilespmem:$0x16400] =	vst v63  }
0x32: {  	_ =	swait.ge [sflag:s28], $0x2000  }
0x33: {  	[sflag:s28] =	ssyncset.done $0x0  }
0x34: {  	[sflag:s28] =	ssyncadd.s32 $0xFFFFE000  }
0x35: {  	_ =	swait.ge [sflag:s28], $0x2000  }
0x36: {  	[sflag:s28] =	ssyncset.done $0x0  }
0x37: {  	[sflag:s28] =	ssyncadd.s32 $0xFFFFE000  }
0x38: {  	_ =	swait.ge [sflag:s28], $0x2000  }
0x39: {  	[sflag:s28] =	ssyncset.done $0x0  }
0x3a: {  	[sflag:s28] =	ssyncadd.s32 $0xFFFFE000  }
0x3b: {  	_ =	swait.ge [sflag:s28], $0x2000  }
0x3c: {  	[sflag:s28] =	ssyncset.done $0x0  }
0x3d: {  	s19 =	sadd.s32 s31, s10;
	[sflag:s28] =	ssyncadd.s32 $0xFFFFE000  }
0x3e: {  	[hbm4b:s19+s3] =	stream.linear.scatter [tilespmem:s17], [sflag:$0x2], $0x2000, $0x38;
	[tilespmem:$0x16400] =	vst v63  }
0x3f: {  	s21 =	sadd.s32 s31, s9  }
0x40: {  	[hbm4b:s21+s3] =	stream.linear.scatter [tilespmem:s18], [sflag:$0x2], $0x2000, $0x38;
	[tilespmem:$0x16400] =	vst v63  }
0x41: {  	s2 =	sadd.s32 s31, s8  }
0x42: {  	[hbm4b:s2+s3] =	stream.linear.scatter [tilespmem:s20], [sflag:$0x2], $0x2000, $0x38;
	[tilespmem:$0x16400] =	vst v63  }
0x43: {  	s19 =	sadd.s32 s31, s7  }
0x44: {  	[hbm4b:s19+s3] =	stream.linear.scatter [tilespmem:s22], [sflag:$0x2], $0x2000, $0x38;
	[tilespmem:$0x16400] =	vst v63  }
0x45: {  	_ =	swait.ge [sflag:s28], $0x2000  }
0x46: {  	[sflag:s28] =	ssyncset.done $0x0  }
0x47: {  	[sflag:s28] =	ssyncadd.s32 $0xFFFFE000  }
0x48: {  	_ =	swait.ge [sflag:s28], $0x2000  }
0x49: {  	[sflag:s28] =	ssyncset.done $0x0  }
0x4a: {  	[sflag:s28] =	ssyncadd.s32 $0xFFFFE000  }
0x4b: {  	_ =	swait.ge [sflag:s28], $0x2000  }
0x4c: {  	[sflag:s28] =	ssyncset.done $0x0  }
0x4d: {  	[sflag:s28] =	ssyncadd.s32 $0xFFFFE000  }
0x4e: {  	_ =	swait.ge [sflag:s28], $0x2000  }
0x4f: {  	[sflag:s28] =	ssyncset.done $0x0  }
0x50: {  	s21 =	sadd.s32 s31, s14;
	[sflag:s28] =	ssyncadd.s32 $0xFFFFE000  }
0x51: {  	[hbm4b:s21+s3] =	stream.linear.scatter [tilespmem:s23], [sflag:$0x2], $0x2000, $0x38;
	[tilespmem:$0x16400] =	vst v63  }
0x52: {  	s2 =	sadd.s32 s31, s13  }
0x53: {  	[hbm4b:s2+s3] =	stream.linear.scatter [tilespmem:s24], [sflag:$0x2], $0x2000, $0x38;
	[tilespmem:$0x16400] =	vst v63  }
0x54: {  	s19 =	sadd.s32 s31, s12  }
0x55: {  	[hbm4b:s19+s3] =	stream.linear.scatter [tilespmem:s25], [sflag:$0x2], $0x2000, $0x38;
	[tilespmem:$0x16400] =	vst v63  }
0x56: {  	s21 =	sadd.s32 s31, s11  }
0x57: {  	[hbm4b:s21+s3] =	stream.linear.scatter [tilespmem:s26], [sflag:$0x2], $0x2000, $0x38;
	[tilespmem:$0x16400] =	vst v63  }
0x58: {  	_ =	swait.ge [sflag:s29], $0x2000  }
0x59: {  	[sflag:s29] =	ssyncset.done $0x0  }
0x5a: {  	[sflag:s29] =	ssyncadd.s32 $0xFFFFE000  }
0x5b: {  	_ =	swait.ge [sflag:s29], $0x2000  }
0x5c: {  	[sflag:s29] =	ssyncset.done $0x0  }
0x5d: {  	[sflag:s29] =	ssyncadd.s32 $0xFFFFE000  }
0x5e: {  	_ =	swait.ge [sflag:s29], $0x2000  }
0x5f: {  	[sflag:s29] =	ssyncset.done $0x0  }
0x60: {  	p0 =	seq.s32 s1, $0x18000;
	[sflag:s29] =	ssyncadd.s32 $0xFFFFE000  }
0x61: {  	s0 =	sshra.s32 @!p0 s1, $0x2;
	s1 =	sadd.s32 @!p0 $0x1000, s1;
	_ =	swait.ge [sflag:s29], $0x2000  }
0x62: {  	p1 =	sne.s32 @!p0 s1, $0x19000;
	s2 =	sadd.s32 @!p0 $0x400, s0;
	[sflag:s29] =	ssyncset.done $0x0  }
0x63: {  	s19 =	simm.s32 @!p0 $0x80;
	s21 =	simm.s32 @!p0 $0x6400;
	[sflag:s29] =	ssyncadd.s32 $0xFFFFE000  }
0x64: {  	[tilespmem:s21], [sflag:$0x1] =	stream.indirect.gather @!p0 [hbm4b:s4+s19], $0x40, s2, s19, $0xb8;
	[tilespmem:$0x16400] =	vst v63  }
0x65: {  	p1 =	por p0, !p1;
	s2 =	sadd.s32 @!p0 $0x480, s0;
	s21 =	simm.s32 @!p0 $0x8400  }
0x66: {  	[tilespmem:s21], [sflag:$0x1] =	stream.indirect.gather @!p0 [hbm4b:s4+s19], $0x40, s2, s19, $0xb8;
	[tilespmem:$0x16400] =	vst v63  }
.Ltmp0:
0x67: {  	_ = 	snop;
	(pc) =	sbr.rel @!p1 .LBB2_2-.Ltmp0, $4  }
0x68: {  	s2 =	sadd.s32 @!p0 $0x500, s0;
	s21 =	simm.s32 @!p0 $0xA400  }
0x69: {  	[tilespmem:s21], [sflag:$0x1] =	stream.indirect.gather @!p0 [hbm4b:s4+s19], $0x40, s2, s19, $0xb8;
	[tilespmem:$0x16400] =	vst v63  }
0x6a: {  	s31 =	sadd.s32 @!p0 $0x2000, s31;
	s0 =	sadd.s32 @!p0 $0x580, s0;
	s2 =	simm.s32 @!p0 $0xC400  }
0x6b: {  	[tilespmem:s2], [sflag:$0x1] =	stream.indirect.gather @!p0 [hbm4b:s4+s19], $0x40, s0, s19, $0xb8;
	[tilespmem:$0x16400] =	vst v63  }
0x6c: {  	_ =	swait.ge [sflag:s29], $0x2000  }
0x6d: {  	[sflag:s29] =	ssyncset.done $0x0  }
0x6e: {  	[sflag:s29] =	ssyncadd.s32 $0xFFFFE000  }
0x6f: {  	_ =	swait.ge [sflag:s29], $0x2000  }
0x70: {  	[sflag:s29] =	ssyncset.done $0x0  }
0x71: {  	s30 =	sadd.s32 $0x1, s30;
	[sflag:s29] =	ssyncadd.s32 $0xFFFFE000  }
0x72: {  	p0 =	sne.s32 s30, s6;
	_ =	swait.ge [sflag:s29], $0x2000  }
.Ltmp1:
0x73: {  	[sflag:s29] =	ssyncset.done $0x0;
	(pc) =	sbr.rel @p0 .LBB2_1-.Ltmp1, $4  }
0x74: {  	[sflag:s29] =	ssyncadd.s32 $0xFFFFE000  }
0x75: {  	_ =	swait.ge [sflag:s29], $0x2000  }
0x76: {  	[sflag:s29] =	ssyncset.done $0x0  }
0x77: {  	[sflag:s29] =	ssyncadd.s32 $0xFFFFE000  }
0x78: {  	_ =	sfence.sel $0x180000  }
0x79: {  	[bflag:$0x0] =	sbarrier.arrive $0xFFFF  }
0x7a: {  	_ =	strace $0x90000047  }
0x7b: {  	s0 =	stileid.u32;
	[bflag:$0x2] =	sbarrier.arrive $0xFFFF  }
0x7c: {  	p0 =	sne.s32 s0, $0x0;
	s0 =	rddreg [dreg:$0x2]  }
0x7d: {  	s0 =	sadd.s32 @!p0 $0x100000, s0  }
0x7e: {  	[sflag:s0] =	ssyncadd.tile.s32 @!p0 $0x1;
	_ =	shalt  }
.Lfunc_end2:
_tile_overlayer_lowered:
.L_overlay_start_2:
0x7f: {  	(tag) =	ssettag $0x2  }
0x80: {  	s0 =	rddreg [dreg:$0x0];
	s2 =	stileid.u32  }
0x81: {  	s1 =	rddreg [dreg:$0x1];
	p0 =	sne.s32 s2, $0x0  }
0x82: {  	s3 =	rddreg [dreg:$0x2];
	[bflag:$0x3] =	sbarrier.arrive $0xFFFF;
	s2 =	simm.s32 @!p0 $0x1C03  }
0x83: {  	[timem:s3], [sflag:s2] =	dma.local @!p0 [hbm:s0], s1  }
0x84: {  	s0 =	simm.s32 @!p0 $0x3  }
0x85: {  	_ =	swait.ge @!p0 [sflag:s0], s1  }
0x86: {  	s1 =	ssub.s32 @!p0 $0x0, s1;
	[sflag:s0] =	ssyncset.done @!p0 $0x0  }
0x87: {  	[sflag:s0] =	ssyncadd.s32 @!p0 s1  }
0x88: {  	[bflag:$0x3] =	sbarrier.arrive $0xFFFF  }
0x89: {  	_ =	shalt  }

// kernel: sparse-core-data-format-call.cloned.1.call-start
scs
called_computation_lowered:
.L_overlay_start_0:
0x0: {  	s2 =	sld [smem:$0x3FD9]  }
0x1: {  	s3 =	sld [smem:$0x3FFE];
	_ =	sdelay $0x1  }
0x2: {  	s1 =	srdreg.scid  }
0x3: {  	s0 =	sand.u32 $0x1, s1  }
0x4: {  	s18 =	sshll.u32 s0, $0xA;
	s2 =	sadd.s32 s3, s2  }
0x5: {  	s2 =	sadd.s32 s2, s18  }
0x6: {  	[smem:$0x3FC6] =	sst s2  }
0x7: {  	_ = 	snop  }
0x8: {  	s2 =	sld [smem:$0x3FD0];
	(tm) =	ssettm $0x1  }
0x9: {  	s19 =	sld [smem:$0x3FFB];
	_ =	sdelay $0x3  }
0xa: {  	_ =	strace s19  }
0xb: {  	s3 =	sld [smem:$0x3FFC];
	_ =	sdelay $0x3  }
0xc: {  	_ =	strace s3  }
0xd: {  	s3 =	sld [smem:$0x3FFD];
	_ =	sdelay $0x3  }
0xe: {  	_ =	strace s3  }
0xf: {  	_ =	strace $0x8FFFFFFF  }
0x10: {  	s20 =	sld [smem:$0x3FDB];
	_ =	sdelay $0x1  }
0x11: {  	s4 =	simm.s32 $_scs_section_size  }
0x12: {  	s5 =	simm.s32 $_size__tile_overlayer_lowered;
	s6 =	simm.s32 $_tile_overlayer_lowered  }
0x13: {  	s23 =	simm.s32 $0x1BFF;
	s22 =	sshll.u32 s6, $0x1;
	s3 =	sadd.s32 s4, s20  }
0x14: {  	s7 =	simm.s32 $0x0;
	s21 =	sshll.u32 s5, $0x1;
	s5 =	sadd.s32 s22, s3  }
0x15: {  	[timem:s7], [sflag:s23] =	dma.local [hbm:s5], s21  }
0x16: {  	_ =	swait.ge [sflag:s23], s21  }
0x17: {  	s4 =	ssub.s32 $0x0, s21;
	[sflag:s23] =	ssyncset.done $0x0  }
0x18: {  	[sflag:s23] =	ssyncadd.s32 s4;
	_ =	sdelay $0x1  }
0x19: {  	s24 =	simm.s32 $0x1B8B  }
0x1a: {  	_ =	swait.ge [sflag:s24], $0x1  }
0x1b: {  	[sflag:s24] =	ssyncset.done $0x0  }
0x1c: {  	s26 =	simm.s32 $0x1B8E;
	s25 =	sld [smem:$0x3FFE];
	[sflag:s24] =	ssyncadd.s32 $0xFFFFFFFF  }
0x1d: {  	s27 =	simm.s32 $execute0_lowered;
	[smem:$0x3FD2] =	sst s26  }
0x1e: {  	s5 =	sshll.u32 s27, $0x1;
	_ =	strace $0x80000049;
	[dreg:$0x1] =	wrdreg $0xFFFFFFFF  }
0x1f: {  	s28 =	simm.s32 $_size_execute0_lowered;
	s3 =	sadd.s32 s3, s5;
	[dreg:$0x0] =	wrdreg $0x0  }
0x20: {  	s5 =	sshll.u32 s28, $0x1;
	[dreg:$0x2] =	wrdreg s3  }
0x21: {  	[dreg:$0x3] =	wrdreg s5  }
0x22: {  	[dreg:$0x4] =	wrdreg $0xC0  }
0x23: {  	_ =	task [dreg:s7], $0x5FFFF  }
0x24: {  	[dreg:$0x1] =	wrdreg $0xFFFFFFFF  }
0x25: {  	[dreg:$0x0] =	wrdreg $0x60  }
0x26: {  	[dreg:$0x2] =	wrdreg s25  }
0x27: {  	[dreg:$0x3] =	wrdreg s2  }
0x28: {  	[dreg:$0x4] =	wrdreg $0x9  }
0x29: {  	_ =	task.clear_ibuf [dreg:s7], $0x5FFFF;
	_ =	strace $0x90000049  }
0x2a: {  	s29 =	simm.s32 $0x9;
	_ =	strace $0x8000004B  }
0x2b: {  	_ =	swait.ge [sflag:s29], $0x1  }
0x2c: {  	[sflag:s29] =	ssyncadd.s32 $0xFFFFFFFF  }
0x2d: {  	_ =	strace $0x9000004B  }
0x2e: {  	_ =	sfence  }
0x2f: {  	s30 =	sld [smem:$0x0];
	_ =	sdelay $0x2  }
0x30: {  	s31 =	sshll.u32 s1, $0xD;
	s1 =	sshrl.u32 s1, $0x2  }
0x31: {  	s3 =	sand.u32 $0x4000, s31;
	s1 =	sadd.s32 s1, s30  }
0x32: {  	s0 =	sor.u32 s3, s0;
	s1 =	sshll.u32 s1, $0x11  }
0x33: {  	s0 =	sor.u32 s1, s0  }
0x34: {  	s0 =	sadd.s32 $0x8F2B, s0  }
0x35: {  	[sflag:s0] =	ssyncadd.remote.s32 $0x1  }
0x36: {  	_ =	sfence.sel $0xFFFF  }
0x37: {  	[dreg:$0x0] =	wrdreg $0xFFFFFFFF;
	(pc) =	sbr.abs _section_cstart, $3  }
0x38: {  	[dreg:$0x1] =	wrdreg $0xFFFFFFFF  }
0x39: {  	_ =	task.clear_ibuf [dreg:s7], $0x2FFFF;
	_ =	strace $0x9FFFFFFF  }
0x3a: {  	(tm) =	ssettm $0x7FFFFFFF  }
0x3b: {  	_ =	shalt  }
tec
execute0_lowered:
.L_overlay_start_1:
0x0: {  	(tag) =	ssettag $0x1  }
0x1: {  	s0 =	srdreg.scid  }
0x2: {  	s1 =	sshll.u32 s0, $0x4  }
0x3: {  	s0 =	stileid.u32;
	s1 =	sand.u32 $0x10, s1  }
0x4: {  	s1 =	sor.u32 s0, s1  }
0x5: {  	s6 =	rddreg [dreg:$0x0];
	s4 =	simm.s32 $0x1;
	s2 =	sshll.u32 s1, $0x7  }
0x6: {  	s7 =	simm.s32 $0x2;
	s12 =	simm.s32 $0x0;
	s1 =	ssub.s32 $0x1000, s2  }
0x7: {  	s8 =	simm.s32 $0x8000;
	s13 =	simm.s32 $0x0;
	s3 =	sand.u32 $0xF80, s1  }
0x8: {  	s9 =	simm.s32 $0x0;
	s5 =	sshrl.u32 s1, $0xC;
	p0 =	sne.s32 s3, $0x0  }
.Ltmp0:
0x9: {  	s1 =	rddreg [dreg:$0x2];
	s4 =	simm.s32 @!p0 $0x0;
	(pc) =	sbr.rel .LBB1_1-.Ltmp0, $4  }
0xa: {  	s11 =	simm.s32 $0x0;
	s3 =	rddreg [dreg:$0x1];
	s5 =	sadd.s32 s4, s5  }
0xb: {  	_ =	strace $0x8000004A;
	s4 =	simm.s32 $0x1;
	s5 =	smul.u32 $0xC8, s5  }
0xc: {  	s6 =	sadd.s32 $0xA00, s6;
	s10 =	smov.u32 s2;
	[sflag:s4] =	ssyncpa.u1 $0x0  }
0xd: {  	p0 =	por $0x0, $0x0;
	[sflag:s7] =	ssyncpa.u1 $0x0;
	s7 =	sor.u32 $0x1, s5  }
.LBB1_4:
0xe: {  	s16 =	sshll.u32 s13, $0x3;
	s17 =	sand.u32 $0x78, s13  }
0xf: {  	s30 =	sand.u32 $0x7E00, s13;
	s12 =	sshll.u32 s12, $0xF;
	s16 =	sand.u32 $0xC00, s16  }
0x10: {  	[tilespmem:s15+$0x810 ss:$0x81] =	vst.msk $0xffff, v2;
	s31 =	sand.u32 $0x7, s13;
	s16 =	sor.u32 s17, s16;
	s17 =	sadd.s32 s3, s30  }
0x11: {  	[tilespmem:s15+$0x1020 ss:$0x81] =	vst.msk $0xffff, v0;
	s13 =	sshll.u32 s31, $0x12;
	s12 =	sadd.s32 s12, s17;
	s16 =	sshrl.u32 s16, $0x3  }
0x12: {  	[tilespmem:s15+$0x0 ss:$0x81] =	vst.msk $0xffff, v1;
	s13 =	sor.u32 $0x400, s13;
	s12 =	sadd.s32 s16, s12  }
0x13: {  	[hbm4b:s12+s13] =	stream.strided.scatter [tilespmem:s14], [sflag:$0x2], $0x2000, s8, s13, $0x20;
	[tilespmem:$0x8080] =	vst v63  }
.LBB1_5:
0x14: {  	s14 =	sadd.s32 $0x1, s9  }
0x15: {  	s12 =	sadd.s32 $0x1000, s10;
	s16 =	smov.u32 s10;
	p2 =	sgt.s32 s14, $0xC7  }
0x16: {  	s16 =	smov.u32 @p2 s12  }
0x17: {  	s14 =	simm.s32 @p2 $0x0;
	p2 =	sgt.s32 s16, $0xFFF  }
0x18: {  	s16 =	smov.u32 @p2 s2;
	p2 =	sne.s32 s11, s7  }
.Ltmp1:
0x19: {  	p1 =	slt.u32 s11, $0x2;
	(pc) =	sbr.rel @!p2 .LBB1_6-.Ltmp1, $4  }
0x1a: {  	s15 =	simm.s32 @!p1 $0x2  }
0x1b: {  	s13 =	smov.u32 s10;
	p0 =	por !p0, !p0;
	_ =	swait.ge @!p1 [sflag:s15], $0x2000  }
0x1c: {  	s12 =	smov.u32 s9;
	[sflag:s15] =	ssyncset.done @!p1 $0x0;
	s9 =	smov.u32 s14  }
0x1d: {  	s11 =	sadd.s32 $0x1, s11;
	[sflag:s15] =	ssyncadd.s32 @!p1 $0xFFFFE000;
	s10 =	smov.u32 s16  }
.LBB1_1:
0x1e: {  	p1 =	sge.u32 s11, s5  }
0x1f: {  	s14 =	sand.u32 @!p1 $0x1FFFFFF, s9  }
0x20: {  	s15 =	smulhi.u32 @!p1 $0x147AE15, s14;
	_ =	sdelay $0x1  }
0x21: {  	s15 =	smul.u32 @!p1 $0xC8, s15  }
0x22: {  	s16 =	sxor.u32 @!p1 $0xFFFFFFFF, s11;
	s17 =	smul.u32 @!p1 $0xC80, s10  }
0x23: {  	s31 =	sadd.s32 $0xFFFFFFFF, s11;
	s16 =	sshll.u32 @!p1 s16, $0xD;
	s14 =	ssub.s32 @!p1 s14, s15  }
0x24: {  	s15 =	sand.u32 @!p1 $0x2000, s16;
	s16 =	sadd.s32 @!p1 s6, s17;
	s14 =	sshll.u32 @!p1 s14, $0x4  }
0x25: {  	s17 =	simm.s32 @!p1 $0x6400;
	s14 =	sadd.s32 @!p1 s14, s16;
	s16 =	simm.s32 @!p1 $0x40  }
0x26: {  	[tilespmem:s15], [sflag:$0x1] =	stream.strided.gather @!p1 [hbm4b:s14+s16], $0x2000, s17, s16, $0x38;
	[tilespmem:$0x8080] =	vst v63  }
0x27: {  	p1 =	sge.u32 s31, s5  }
.Ltmp2:
0x28: {  	_ = 	snop;
	(pc) =	sbr.rel @p1 .LBB1_5-.Ltmp2, $1  }
0x29: {  	_ =	sdelay $0x3  }
0x2a: {  	s14 =	simm.s32 $0x1  }
0x2b: {  	_ =	swait.ge [sflag:s4], $0x2000;
	s14 =	simm.s32 @!p0 $0x0  }
0x2c: {  	[sflag:s4] =	ssyncset.done $0x0;
	s15 =	sshll.u32 s14, $0xD  }
0x2d: {  	[sflag:s4] =	ssyncadd.s32 $0xFFFFE000;
	s18 =	sor.u32 $0x20, s15  }
0x2e: {  	s14 =	smul.u32 $0x8100, s14;
	v3 =	vld [tilespmem:s18+$0x10]  }
0x2f: {  	s30 =	sand.u32 $0x1, s11;
	v2 =	vld [tilespmem:s18+$0xFFFFFFF0]  }
0x30: {  	s15 =	smul.u32 $0x8100, s30;
	s14 =	sshrl.u32 s14, $0x2;
	v0 =	vld [tilespmem:s18+$0x0]  }
0x31: {  	v1 =	vld [tilespmem:s18+$0xFFFFFFE0];
	s16 =	sor.u32 $0x4000, s14  }
0x32: {  	s31 =	sshrl.u32 s15, $0x2;
	s15 =	sadd.s32 $0x0, s16  }
0x33: {  	s17 =	simm.s32 $0x4;
	s18 =	sadd.s32 $0x40, s18;
	s14 =	sor.u32 $0x4000, s31;
	[tilespmem:s15+$0x1830 ss:$0x81] =	vst.msk $0xffff, v3  }
.LBB1_3:
0x34: {  	v3 =	vld [tilespmem:s18+$0x10];
	p1 =	sne.s32 s17, $0x1FC;
	[tilespmem:s15+$0x810 ss:$0x81] =	vst.msk $0xffff, v2;
	s19 =	smov.u32 s17;
	s17 =	sadd.s32 $0x4, s17  }
.Ltmp3:
0x35: {  	v2 =	vld [tilespmem:s18+$0xFFFFFFF0];
	[tilespmem:s15+$0x1020 ss:$0x81] =	vst.msk $0xffff, v0;
	(pc) =	sbr.rel @p1 .LBB1_3-.Ltmp3, $4  }
0x36: {  	v0 =	vld [tilespmem:s18+$0x0];
	[tilespmem:s15+$0x0 ss:$0x81] =	vst.msk $0xffff, v1  }
0x37: {  	s15 =	sshra.s32 s19, $0x2;
	v1 =	vld [tilespmem:s18+$0xFFFFFFE0]  }
0x38: {  	s15 =	sadd.s32 s15, s16  }
0x39: {  	s18 =	sadd.s32 $0x40, s18;
	[tilespmem:s15+$0x1830 ss:$0x81] =	vst.msk $0xffff, v3  }
.Ltmp4:
0x3a: {  	_ = 	snop;
	(pc) =	sbr.rel .LBB1_4-.Ltmp4, $1  }
0x3b: {  	_ =	sdelay $0x3  }
.LBB1_6:
0x3c: {  	_ =	sfence.sel $0x180000  }
0x3d: {  	s2 =	simm.s32 $0x1;
	[bflag:$0x0] =	sbarrier.arrive $0xFFFF  }
0x3e: {  	s31 =	simm.s32 $0x2;
	[sflag:s2] =	ssyncpa.u1 $0x1  }
0x3f: {  	[sflag:s31] =	ssyncpa.u1 $0x1  }
0x40: {  	p0 =	sne.s32 s0, $0x0;
	_ =	strace $0x9000004A  }
0x41: {  	s0 =	sadd.s32 @!p0 $0x100000, s1;
	[bflag:$0x2] =	sbarrier.arrive $0xFFFF  }
0x42: {  	[sflag:s0] =	ssyncadd.tile.s32 @!p0 $0x1;
	_ =	shalt  }
.Lfunc_end1:
_tile_overlayer_lowered:
.L_overlay_start_2:
0x43: {  	(tag) =	ssettag $0x2  }
0x44: {  	s0 =	rddreg [dreg:$0x0];
	s2 =	stileid.u32  }
0x45: {  	s1 =	rddreg [dreg:$0x1];
	p0 =	sne.s32 s2, $0x0  }
0x46: {  	s3 =	rddreg [dreg:$0x2];
	[bflag:$0x3] =	sbarrier.arrive $0xFFFF;
	s2 =	simm.s32 @!p0 $0x1C01  }
0x47: {  	[timem:s3], [sflag:s2] =	dma.local @!p0 [hbm:s0], s1  }
0x48: {  	s0 =	simm.s32 @!p0 $0x1  }
0x49: {  	_ =	swait.ge @!p0 [sflag:s0], s1  }
0x4a: {  	s1 =	ssub.s32 @!p0 $0x0, s1;
	[sflag:s0] =	ssyncset.done @!p0 $0x0  }
0x4b: {  	[sflag:s0] =	ssyncadd.s32 @!p0 s1  }
0x4c: {  	[bflag:$0x3] =	sbarrier.arrive $0xFFFF  }
0x4d: {  	_ =	shalt  }

</sc_bundles>
